<compile_context>
chip_gen: v7x
topology: tpu7x:2x2x1
jax: 0.10.2.dev20260603
libtpu: 0.0.44.dev20260713+nightly
codegen_flags: <defaults>
</compile_context>

<pallas_src>
import functools
import jax
import jax.numpy as jnp
from jax import lax
from jax.experimental import pallas as pl
from jax.experimental.pallas import tpu as pltpu
from jax.experimental.pallas import tpu_sc as plsc

B = 8
N = 20000
TOP_K = 750
IOU_THRESH = 0.01
CONF_THRESH = 0.3
V0, V1 = 0.1, 0.2

CH = 2000
NCHUNKS = N // CH
VPC = CH // 16
LCAP = N + 16
OUTL = 768
NEG_INF = float("-inf")


def _sc_body(l0_h, l1_h, lx_h, ly_h, lw_h, lh_h, px_h, py_h, pw_h, ph_h,
             ox1_h, oy1_h, ox2_h, oy2_h, osc_h, ocnt_h,
             s0, s1, sx, sy, sw_, sh_, spx, spy, spw, sph,
             L1, L2, L3, L4, L5,
             O1, O2, O3, O4, O5, OC, sem):
    wid = lax.axis_index("s") * 2 + lax.axis_index("c")

    @pl.when(wid < B)
    def _work():
        b = wid
        base = b * N
        lane = lax.broadcasted_iota(jnp.int32, (16,), 0)
        zero16 = jnp.zeros((16,), jnp.float32)

        def zbody(i, _):
            O1[pl.ds(i * 16, 16)] = zero16
            O2[pl.ds(i * 16, 16)] = zero16
            O3[pl.ds(i * 16, 16)] = zero16
            O4[pl.ds(i * 16, 16)] = zero16
            O5[pl.ds(i * 16, 16)] = zero16
            return 0
        lax.fori_loop(0, OUTL // 16, zbody, 0)

        def chunk(c, carry):
            w, mcv = carry
            o = base + c * CH
            po = c * CH
            cps = [
                pltpu.async_copy(l0_h.at[pl.ds(o, CH)], s0, sem),
                pltpu.async_copy(l1_h.at[pl.ds(o, CH)], s1, sem),
                pltpu.async_copy(lx_h.at[pl.ds(o, CH)], sx, sem),
                pltpu.async_copy(ly_h.at[pl.ds(o, CH)], sy, sem),
                pltpu.async_copy(lw_h.at[pl.ds(o, CH)], sw_, sem),
                pltpu.async_copy(lh_h.at[pl.ds(o, CH)], sh_, sem),
                pltpu.async_copy(px_h.at[pl.ds(po, CH)], spx, sem),
                pltpu.async_copy(py_h.at[pl.ds(po, CH)], spy, sem),
                pltpu.async_copy(pw_h.at[pl.ds(po, CH)], spw, sem),
                pltpu.async_copy(ph_h.at[pl.ds(po, CH)], sph, sem),
            ]
            for cp in cps:
                cp.wait()

            def vec(i, carry2):
                w2, mcv2 = carry2
                sl = pl.ds(i * 16, 16)
                a0 = s0[sl]
                a1 = s1[sl]
                m01 = jnp.maximum(a0, a1)
                e0 = jnp.exp(a0 - m01)
                e1 = jnp.exp(a1 - m01)
                sc = e1 / (e0 + e1)

                pxv = spx[sl]
                pyv = spy[sl]
                pwv = spw[sl]
                phv = sph[sl]
                cx = pxv + sx[sl] * V0 * pwv
                cy = pyv + sy[sl] * V0 * phv
                bw = pwv * jnp.exp(sw_[sl] * V1)
                bh = phv * jnp.exp(sh_[sl] * V1)
                tx = cx - bw / 2.0
                ty = cy - bh / 2.0
                x1 = tx * 1024.0
                y1 = ty * 1024.0
                x2 = (tx + bw) * 1024.0
                y2 = (ty + bh) * 1024.0

                m = sc > CONF_THRESH
                cmax = jnp.maximum(jnp.maximum(x1, y1), jnp.maximum(x2, y2))
                mcv3 = jnp.maximum(mcv2, jnp.where(m, cmax, NEG_INF))

                dst = pl.ds(w2, 16)
                plsc.store_compressed(L1.at[dst], x1, mask=m)
                plsc.store_compressed(L2.at[dst], y1, mask=m)
                plsc.store_compressed(L3.at[dst], x2, mask=m)
                plsc.store_compressed(L4.at[dst], y2, mask=m)
                plsc.store_compressed(L5.at[dst], sc, mask=m)
                w3 = w2 + jnp.sum(m.astype(jnp.int32))
                return w3, mcv3

            return lax.fori_loop(0, VPC, vec, (w, mcv))

        nlive, mcv = lax.fori_loop(
            0, NCHUNKS, chunk,
            (jnp.int32(0), jnp.full((16,), NEG_INF, jnp.float32)))

        mc = jnp.max(mcv)
        finite = (mc == mc) & (jnp.abs(mc) != jnp.inf)
        off = jnp.where(finite, mc, 0.0) + 1.0

        nch0 = (nlive + 15) // 16

        BIGI = jnp.int32(2**31 - 1)

        def resolve(bmv, bpv):
            chm = jnp.max(bmv)
            has = chm > NEG_INF
            bp = jnp.min(jnp.where(bmv == chm, bpv, BIGI))
            bp = jnp.where(has, bp, 0)
            q = (bp // 16) * 16
            r = bp - q
            sl2 = pl.ds(q, 16)
            selr = lane == r
            ex2 = lambda ref: jnp.max(jnp.where(selr, ref[sl2], NEG_INF))
            nms = jnp.where(has, chm, NEG_INF)
            return nms, ex2(L1), ex2(L2), ex2(L3), ex2(L4), bp

        def scanb(i, carry):
            bmv, bpv = carry
            p = i * 16
            sl = pl.ds(p, 16)
            L1[sl] = L1[sl] + off
            L2[sl] = L2[sl] + off
            L3[sl] = L3[sl] + off
            L4[sl] = L4[sl] + off
            scv = L5[sl]
            vmask = (p + lane) < nlive
            smk = jnp.where(vmask, scv, NEG_INF)
            upd = smk > bmv
            bpv2 = jnp.where(upd, p + lane, bpv)
            return jnp.maximum(bmv, smk), bpv2

        bmv0, bpv0 = lax.fori_loop(
            0, nch0, scanb,
            (jnp.full((16,), NEG_INF, jnp.float32),
             jnp.zeros((16,), jnp.int32)))
        best0 = resolve(bmv0, bpv0)

        def cond(st):
            cnt, nlen, bms, b1, b2, b3, b4, bpos = st
            return (bms > NEG_INF) & (cnt < TOP_K)

        def body(st):
            cnt, nlen, bms, b1, b2, b3, b4, bpos = st
            cm = lane == 0
            iv = jnp.full((16,), cnt, jnp.int32)
            plsc.store_scatter(O1, [iv], jnp.full((16,), b1 - off), mask=cm)
            plsc.store_scatter(O2, [iv], jnp.full((16,), b2 - off), mask=cm)
            plsc.store_scatter(O3, [iv], jnp.full((16,), b3 - off), mask=cm)
            plsc.store_scatter(O4, [iv], jnp.full((16,), b4 - off), mask=cm)
            plsc.store_scatter(O5, [iv], jnp.full((16,), bms), mask=cm)
            plsc.store_scatter(L5, [jnp.full((16,), bpos, jnp.int32)],
                               jnp.full((16,), NEG_INF), mask=cm)
            cnt2 = cnt + 1

            karea = (b3 - b1) * (b4 - b2)

            def compact(nlen_):
                def cb(i, w):
                    p = i * 16
                    sl = pl.ds(p, 16)
                    x1v = L1[sl]
                    y1v = L2[sl]
                    x2v = L3[sl]
                    y2v = L4[sl]
                    scv = L5[sl]
                    keepm = (scv > NEG_INF) & ((p + lane) < nlen_)
                    dst = pl.ds(w, 16)
                    plsc.store_compressed(L1.at[dst], x1v, mask=keepm)
                    plsc.store_compressed(L2.at[dst], y1v, mask=keepm)
                    plsc.store_compressed(L3.at[dst], x2v, mask=keepm)
                    plsc.store_compressed(L4.at[dst], y2v, mask=keepm)
                    plsc.store_compressed(L5.at[dst], scv, mask=keepm)
                    return w + jnp.sum(keepm.astype(jnp.int32))
                return lax.fori_loop(0, (nlen_ + 15) // 16, cb, jnp.int32(0))

            do_c = ((cnt2 >= 2) & (cnt2 <= 4)) | (lax.rem(cnt2, 8) == 0)
            w = compact(jnp.where(do_c, nlen, 0))
            nlen2 = jnp.where(do_c, w, nlen)

            def sp(i, carry):
                bmv, bpv = carry
                p = i * 16
                sl = pl.ds(p, 16)
                x1v = L1[sl]
                y1v = L2[sl]
                x2v = L3[sl]
                y2v = L4[sl]
                scv = L5[sl]
                vmask = (p + lane) < nlen2
                areav = (x2v - x1v) * (y2v - y1v)
                xx1 = jnp.maximum(b1, x1v)
                yy1 = jnp.maximum(b2, y1v)
                xx2 = jnp.minimum(b3, x2v)
                yy2 = jnp.minimum(b4, y2v)
                iw = jnp.maximum(xx2 - xx1, 0.0)
                ih = jnp.maximum(yy2 - yy1, 0.0)
                inter = iw * ih
                iou = inter / (karea + areav - inter)
                newsc = jnp.where(iou > IOU_THRESH, NEG_INF, scv)
                L5[sl] = newsc
                smk = jnp.where(vmask, newsc, NEG_INF)
                upd = smk > bmv
                bpv2 = jnp.where(upd, p + lane, bpv)
                return jnp.maximum(bmv, smk), bpv2

            bmv, bpv = lax.fori_loop(
                0, (nlen2 + 15) // 16, sp,
                (jnp.full((16,), NEG_INF, jnp.float32),
                 jnp.zeros((16,), jnp.int32)))
            nms, nb1, nb2, nb3, nb4, bp = resolve(bmv, bpv)
            return cnt2, nlen2, nms, nb1, nb2, nb3, nb4, bp

        st = lax.while_loop(
            cond, body,
            (jnp.int32(0), nlive, best0[0], best0[1], best0[2], best0[3],
             best0[4], best0[5]))
        cnt_final = st[0]

        OC[...] = jnp.full((16,), cnt_final, jnp.int32)
        pltpu.sync_copy(O1, ox1_h.at[pl.ds(b * OUTL, OUTL)])
        pltpu.sync_copy(O2, oy1_h.at[pl.ds(b * OUTL, OUTL)])
        pltpu.sync_copy(O3, ox2_h.at[pl.ds(b * OUTL, OUTL)])
        pltpu.sync_copy(O4, oy2_h.at[pl.ds(b * OUTL, OUTL)])
        pltpu.sync_copy(O5, osc_h.at[pl.ds(b * OUTL, OUTL)])
        pltpu.sync_copy(OC, ocnt_h.at[pl.ds(b * 16, 16)])


_mesh = plsc.VectorSubcoreMesh(
    core_axis_name="c", subcore_axis_name="s", num_cores=2, num_subcores=16)

_sc_call = functools.partial(
    pl.kernel,
    out_type=[jax.ShapeDtypeStruct((B * OUTL,), jnp.float32)] * 5
    + [jax.ShapeDtypeStruct((B * 16,), jnp.int32)],
    mesh=_mesh,
    scratch_types=[pltpu.VMEM((CH,), jnp.float32)] * 10
    + [pltpu.VMEM((LCAP,), jnp.float32)] * 5
    + [pltpu.VMEM((OUTL,), jnp.float32)] * 5
    + [pltpu.VMEM((16,), jnp.int32), pltpu.SemaphoreType.DMA],
    compiler_params=pltpu.CompilerParams(needs_layout_passes=False),
)(_sc_body)


@jax.jit
def kernel(boxes_logits, cls_logits, priors):
    l0 = cls_logits[:, :, 0].reshape(-1)
    l1 = cls_logits[:, :, 1].reshape(-1)
    lx = boxes_logits[:, :, 0].reshape(-1)
    ly = boxes_logits[:, :, 1].reshape(-1)
    lw = boxes_logits[:, :, 2].reshape(-1)
    lh = boxes_logits[:, :, 3].reshape(-1)
    px = priors[:, 0]
    py = priors[:, 1]
    pw = priors[:, 2]
    ph = priors[:, 3]

    ox1, oy1, ox2, oy2, osc, ocnt = _sc_call(
        l0, l1, lx, ly, lw, lh, px, py, pw, ph)

    ox1 = ox1.reshape(B, OUTL)
    oy1 = oy1.reshape(B, OUTL)
    ox2 = ox2.reshape(B, OUTL)
    oy2 = oy2.reshape(B, OUTL)
    osc = osc.reshape(B, OUTL)
    pred_boxes = jnp.stack(
        [ox1[:, :TOP_K], oy1[:, :TOP_K], ox2[:, :TOP_K], oy2[:, :TOP_K]],
        axis=-1,
    )
    pred_scores = osc[:, :TOP_K]
    counts = ocnt.reshape(B, 16)[:, 0]
    slot = jnp.arange(TOP_K, dtype=jnp.int32)[None, :]
    pred_labels = jnp.where(slot < counts[:, None], 1, 0).astype(jnp.int64)
    return pred_boxes, pred_scores, pred_labels, counts

# --- scband reference (transcript-rebuilt; emitter-appended) ---
"""Pipeline reference for scband-face-boxes-detect-16243566313648 (READ-ONLY COPY).

The authoritative reference and input builder live on the scoring server;
editing this copy changes nothing except your own understanding.
"""

import jax, jax.numpy as jnp
import numpy as np

B = 8
N = 20000
C = 2
TOP_K = 750
IOU_THRESH = 0.01
CONF_THRESH = 0.3
V0, V1 = 0.1, 0.2


def setup_inputs(seed: int = 0):
    key = jax.random.key(seed)
    k1, k2, k3 = jax.random.split(key, 3)
    boxes_logits = jax.random.normal(k1, (B, N, 4), dtype=jnp.float32)
    cls_logits = jax.random.normal(k2, (B, N, C), dtype=jnp.float32)
    priors = jax.random.uniform(k3, (N, 4), dtype=jnp.float32)
    return {"boxes_logits": boxes_logits, "cls_logits": cls_logits, "priors": priors}


def _decode(loc, priors):
    centers = priors[..., :2] + loc[..., :2] * V0 * priors[..., 2:]
    wh = priors[..., 2:] * jnp.exp(loc[..., 2:] * V1)
    xy1 = centers - wh / 2.0
    xy2 = xy1 + wh
    return jnp.concatenate([xy1, xy2], axis=-1)


def _nms_fixed(boxes, valid, iou_thresh, max_keep):
    m = boxes.shape[0]
    x1, y1, x2, y2 = boxes[:, 0], boxes[:, 1], boxes[:, 2], boxes[:, 3]
    areas = (x2 - x1) * (y2 - y1)
    pos = jnp.arange(m)

    def body(i, state):
        suppressed, kept, cnt = state
        cur = valid[i] & (~suppressed[i]) & (cnt < max_keep)
        xx1 = jnp.maximum(x1[i], x1)
        yy1 = jnp.maximum(y1[i], y1)
        xx2 = jnp.minimum(x2[i], x2)
        yy2 = jnp.minimum(y2[i], y2)
        w = jnp.clip(xx2 - xx1, 0.0, None)
        h = jnp.clip(yy2 - yy1, 0.0, None)
        inter = w * h
        iou = inter / (areas[i] + areas - inter)
        sup_new = (iou > iou_thresh) & (pos > i)
        suppressed = jnp.where(cur, suppressed | sup_new, suppressed)
        kept = kept.at[i].set(cur)
        cnt = cnt + cur.astype(jnp.int32)
        return suppressed, kept, cnt

    init = (
        jnp.zeros((m,), dtype=bool),
        jnp.zeros((m,), dtype=bool),
        jnp.zeros((), dtype=jnp.int32),
    )
    _, kept, cnt = jax.lax.fori_loop(0, m, body, init)
    return kept, cnt


def _select(boxes_logits, cls_logits, priors):
    scores_all = jax.nn.softmax(cls_logits, axis=2)
    boxes_all = _decode(boxes_logits, priors) * 1024.0
    bsz, n, c = scores_all.shape
    fg = c - 1
    sel = []
    for b in range(bsz):
        sc = scores_all[b][:, 1:].reshape(-1)
        bx = jnp.broadcast_to(boxes_all[b][:, None, :], (n, c, 4))[:, 1:, :].reshape(-1, 4)
        lb = jnp.broadcast_to(jnp.arange(c)[None, :], (n, c))[:, 1:].reshape(-1)
        mask = sc > CONF_THRESH
        max_coord = jnp.max(jnp.where(mask[:, None], bx, -jnp.inf))
        max_coord = jnp.where(jnp.isfinite(max_coord), max_coord, 0.0)
        off = lb.astype(bx.dtype) * (max_coord + 1.0)
        bxs = bx + off[:, None]
        neg_key = jnp.where(mask, -sc, jnp.inf)
        order = jnp.argsort(neg_key)
        kept, cnt = _nms_fixed(bxs[order], mask[order], IOU_THRESH, TOP_K)
        m = bxs.shape[0]
        rank = jnp.cumsum(kept.astype(jnp.int32)) - 1
        slot = jnp.where(kept, rank, TOP_K)
        slots = jnp.full((TOP_K + 1,), m, dtype=order.dtype).at[slot].set(order)
        flat_top = slots[:TOP_K]
        valid_top = flat_top < m
        sel.append((flat_top, valid_top, cnt))
    return scores_all, boxes_all, sel, fg


def reference(boxes_logits, cls_logits, priors):
    scores_all, boxes_all, sel, fg = _select(boxes_logits, cls_logits, priors)
    bsz = int(boxes_logits.shape[0])
    pred_boxes = []
    pred_scores = []
    pred_labels = []
    counts = []
    for b in range(bsz):
        flat_top, valid_top, cnt = sel[b]
        flat_c = jnp.where(valid_top, flat_top, 0)
        box_idx = flat_c // fg
        cls_idx = flat_c % fg + 1
        pb = jnp.where(valid_top[:, None], boxes_all[b][box_idx], 0.0).astype(jnp.float32)
        ps = jnp.where(valid_top, scores_all[b][box_idx, cls_idx], 0.0).astype(jnp.float32)
        pl = jnp.where(valid_top, cls_idx, 0)
        pred_boxes.append(pb)
        pred_scores.append(ps)
        pred_labels.append(pl)
        counts.append(cnt)
    pred_boxes = jnp.stack(pred_boxes, axis=0)
    pred_scores = jnp.stack(pred_scores, axis=0)
    pred_labels = jnp.stack(pred_labels, axis=0).astype(jnp.int64)
    counts = jnp.stack(counts, axis=0).astype(jnp.int32)
    return (pred_boxes, pred_scores, pred_labels, counts)

if __name__ == "__main__":
    import jax
    _d = setup_inputs()
    print(jax.jit(kernel)(*tuple(_d.values())))

</pallas_src>

<mosaic_0001>
#map = affine_map<(d0, d1) -> (0)>
module attributes {stable_mosaic.version = 14 : i64} {
  func.func @_sc_body(%arg0: i32, %arg1: i32, %arg2: memref<160000xf32, #tpu.memory_space<hbm>>, %arg3: memref<160000xf32, #tpu.memory_space<hbm>>, %arg4: memref<160000xf32, #tpu.memory_space<hbm>>, %arg5: memref<160000xf32, #tpu.memory_space<hbm>>, %arg6: memref<160000xf32, #tpu.memory_space<hbm>>, %arg7: memref<160000xf32, #tpu.memory_space<hbm>>, %arg8: memref<20000xf32, #tpu.memory_space<hbm>>, %arg9: memref<20000xf32, #tpu.memory_space<hbm>>, %arg10: memref<20000xf32, #tpu.memory_space<hbm>>, %arg11: memref<20000xf32, #tpu.memory_space<hbm>>, %arg12: memref<6144xf32, #tpu.memory_space<hbm>>, %arg13: memref<6144xf32, #tpu.memory_space<hbm>>, %arg14: memref<6144xf32, #tpu.memory_space<hbm>>, %arg15: memref<6144xf32, #tpu.memory_space<hbm>>, %arg16: memref<6144xf32, #tpu.memory_space<hbm>>, %arg17: memref<128xi32, #tpu.memory_space<hbm>>, %arg18: memref<2000xf32, #tpu.memory_space<vmem>>, %arg19: memref<2000xf32, #tpu.memory_space<vmem>>, %arg20: memref<2000xf32, #tpu.memory_space<vmem>>, %arg21: memref<2000xf32, #tpu.memory_space<vmem>>, %arg22: memref<2000xf32, #tpu.memory_space<vmem>>, %arg23: memref<2000xf32, #tpu.memory_space<vmem>>, %arg24: memref<2000xf32, #tpu.memory_space<vmem>>, %arg25: memref<2000xf32, #tpu.memory_space<vmem>>, %arg26: memref<2000xf32, #tpu.memory_space<vmem>>, %arg27: memref<2000xf32, #tpu.memory_space<vmem>>, %arg28: memref<20016xf32, #tpu.memory_space<vmem>>, %arg29: memref<20016xf32, #tpu.memory_space<vmem>>, %arg30: memref<20016xf32, #tpu.memory_space<vmem>>, %arg31: memref<20016xf32, #tpu.memory_space<vmem>>, %arg32: memref<20016xf32, #tpu.memory_space<vmem>>, %arg33: memref<768xf32, #tpu.memory_space<vmem>>, %arg34: memref<768xf32, #tpu.memory_space<vmem>>, %arg35: memref<768xf32, #tpu.memory_space<vmem>>, %arg36: memref<768xf32, #tpu.memory_space<vmem>>, %arg37: memref<768xf32, #tpu.memory_space<vmem>>, %arg38: memref<16xi32, #tpu.memory_space<vmem>>, %arg39: memref<!tpu.dma_semaphore, #tpu.memory_space<semaphore_mem>>) attributes {dimension_semantics = [#tpu.dimension_semantics<core_parallel>, #tpu.dimension_semantics<subcore_parallel>], iteration_bounds = array<i64: 2, 16>, scalar_prefetch = 0 : i64, scratch_operands = 22 : i64, tpu.core_type = #tpu.core_type<sc_vector_subcore>, window_params = [{transform_indices = #map}, {transform_indices = #map}, {transform_indices = #map}, {transform_indices = #map}, {transform_indices = #map}, {transform_indices = #map}, {transform_indices = #map}, {transform_indices = #map}, {transform_indices = #map}, {transform_indices = #map}, {transform_indices = #map}, {transform_indices = #map}, {transform_indices = #map}, {transform_indices = #map}, {transform_indices = #map}, {transform_indices = #map}]} {
    %mul3A = arith.constant 2 : i32
    %mul3A_0 = arith.muli %arg1, %mul3A : i32
    %add3A = arith.addi %mul3A_0, %arg0 : i32
    %lt3A = arith.constant 8 : i32
    %lt3A_1 = arith.cmpi slt, %add3A, %lt3A : i32
    %convert_element_type3A = arith.extui %lt3A_1 : i1 to i32
    %cond3A = arith.constant 0 : i32
    %cond3A_2 = arith.cmpi ne, %convert_element_type3A, %cond3A : i32
    scf.if %cond3A_2 {
      %mul3A_3 = arith.constant 20000 : i32
      %mul3A_4 = arith.muli %add3A, %mul3A_3 : i32
      %iota3A = tpu.iota {dimensions = array<i32: 0>} : vector<16xi32>
      %broadcast_in_dim3A = arith.constant 0.000000e+00 : f32
      %broadcast_in_dim3A_5 = vector.broadcast %broadcast_in_dim3A : f32 to vector<16xf32>
      %scan3A = arith.constant 0 : i32
      %scan3A_6 = arith.constant 0 : i32
      %scan3A_7 = arith.constant 48 : i32
      %scan3A_8 = arith.addi %scan3A_6, %scan3A_7 : i32
      %scan3A_9 = arith.constant 1 : i32
      %scan3A_10 = scf.for %scan3A_165 = %scan3A_6 to %scan3A_8 step %scan3A_9 iter_args(%scan3A_166 = %scan3A) -> (i32)  : i32 {
        %mul3A_167 = arith.constant 16 : i32
        %mul3A_168 = arith.muli %scan3A_165, %mul3A_167 : i32
        %swap3A_169 = arith.index_cast %mul3A_168 : i32 to index
        %swap3A_170 = tpu.vector_load %arg33[%swap3A_169] {strides = array<i32>} : memref<768xf32, #tpu.memory_space<vmem>>, vector<16xf32>,
        tpu.vector_store %arg33[%swap3A_169], %broadcast_in_dim3A_5 {strides = array<i32>} : memref<768xf32, #tpu.memory_space<vmem>>, vector<16xf32>,
        %mul3A_171 = arith.constant 16 : i32
        %mul3A_172 = arith.muli %scan3A_165, %mul3A_171 : i32
        %swap3A_173 = arith.index_cast %mul3A_172 : i32 to index
        %swap3A_174 = tpu.vector_load %arg34[%swap3A_173] {strides = array<i32>} : memref<768xf32, #tpu.memory_space<vmem>>, vector<16xf32>,
        tpu.vector_store %arg34[%swap3A_173], %broadcast_in_dim3A_5 {strides = array<i32>} : memref<768xf32, #tpu.memory_space<vmem>>, vector<16xf32>,
        %mul3A_175 = arith.constant 16 : i32
        %mul3A_176 = arith.muli %scan3A_165, %mul3A_175 : i32
        %swap3A_177 = arith.index_cast %mul3A_176 : i32 to index
        %swap3A_178 = tpu.vector_load %arg35[%swap3A_177] {strides = array<i32>} : memref<768xf32, #tpu.memory_space<vmem>>, vector<16xf32>,
        tpu.vector_store %arg35[%swap3A_177], %broadcast_in_dim3A_5 {strides = array<i32>} : memref<768xf32, #tpu.memory_space<vmem>>, vector<16xf32>,
        %mul3A_179 = arith.constant 16 : i32
        %mul3A_180 = arith.muli %scan3A_165, %mul3A_179 : i32
        %swap3A_181 = arith.index_cast %mul3A_180 : i32 to index
        %swap3A_182 = tpu.vector_load %arg36[%swap3A_181] {strides = array<i32>} : memref<768xf32, #tpu.memory_space<vmem>>, vector<16xf32>,
        tpu.vector_store %arg36[%swap3A_181], %broadcast_in_dim3A_5 {strides = array<i32>} : memref<768xf32, #tpu.memory_space<vmem>>, vector<16xf32>,
        %mul3A_183 = arith.constant 16 : i32
        %mul3A_184 = arith.muli %scan3A_165, %mul3A_183 : i32
        %swap3A_185 = arith.index_cast %mul3A_184 : i32 to index
        %swap3A_186 = tpu.vector_load %arg37[%swap3A_185] {strides = array<i32>} : memref<768xf32, #tpu.memory_space<vmem>>, vector<16xf32>,
        tpu.vector_store %arg37[%swap3A_185], %broadcast_in_dim3A_5 {strides = array<i32>} : memref<768xf32, #tpu.memory_space<vmem>>, vector<16xf32>,
        %scan3A_187 = arith.constant 0 : i32
        scf.yield %scan3A_187 : i32
      }
      %scan3A_11 = arith.constant 48 : i32
      %broadcast_in_dim3A_12 = arith.constant 0xFF800000 : f32
      %broadcast_in_dim3A_13 = vector.broadcast %broadcast_in_dim3A_12 : f32 to vector<16xf32>
      %scan3A_14 = arith.constant 0 : i32
      %scan3A_15 = arith.constant 0 : i32
      %scan3A_16 = arith.constant 10 : i32
      %scan3A_17 = arith.addi %scan3A_15, %scan3A_16 : i32
      %scan3A_18 = arith.constant 1 : i32
      %scan3A_19:2 = scf.for %scan3A_165 = %scan3A_15 to %scan3A_17 step %scan3A_18 iter_args(%scan3A_166 = %scan3A_14, %scan3A_167 = %broadcast_in_dim3A_13) -> (i32, vector<16xf32>)  : i32 {
        %mul3A_168 = arith.constant 2000 : i32
        %mul3A_169 = arith.muli %scan3A_165, %mul3A_168 : i32
        %add3A_170 = arith.addi %mul3A_4, %mul3A_169 : i32
        %mul3A_171 = arith.constant 2000 : i32
        %mul3A_172 = arith.muli %scan3A_165, %mul3A_171 : i32
        %dma_start3A = tpu.memref_slice %arg2[%add3A_170] : memref<160000xf32, #tpu.memory_space<hbm>> -> memref<2000xf32, #tpu.memory_space<hbm>>
        %dma_start3A_173 = tpu.memref_slice %arg2[%add3A_170] : memref<160000xf32, #tpu.memory_space<hbm>> -> memref<2000xf32, #tpu.memory_space<hbm>>
        tpu.enqueue_dma source(%dma_start3A_173 : memref<2000xf32, #tpu.memory_space<hbm>>) target(%arg18 : memref<2000xf32, #tpu.memory_space<vmem>>) target_semaphore(%arg39 : memref<!tpu.dma_semaphore, #tpu.memory_space<semaphore_mem>>)
        %dma_start3A_174 = tpu.memref_slice %arg3[%add3A_170] : memref<160000xf32, #tpu.memory_space<hbm>> -> memref<2000xf32, #tpu.memory_space<hbm>>
        %dma_start3A_175 = tpu.memref_slice %arg3[%add3A_170] : memref<160000xf32, #tpu.memory_space<hbm>> -> memref<2000xf32, #tpu.memory_space<hbm>>
        tpu.enqueue_dma source(%dma_start3A_175 : memref<2000xf32, #tpu.memory_space<hbm>>) target(%arg19 : memref<2000xf32, #tpu.memory_space<vmem>>) target_semaphore(%arg39 : memref<!tpu.dma_semaphore, #tpu.memory_space<semaphore_mem>>)
        %dma_start3A_176 = tpu.memref_slice %arg4[%add3A_170] : memref<160000xf32, #tpu.memory_space<hbm>> -> memref<2000xf32, #tpu.memory_space<hbm>>
        %dma_start3A_177 = tpu.memref_slice %arg4[%add3A_170] : memref<160000xf32, #tpu.memory_space<hbm>> -> memref<2000xf32, #tpu.memory_space<hbm>>
        tpu.enqueue_dma source(%dma_start3A_177 : memref<2000xf32, #tpu.memory_space<hbm>>) target(%arg20 : memref<2000xf32, #tpu.memory_space<vmem>>) target_semaphore(%arg39 : memref<!tpu.dma_semaphore, #tpu.memory_space<semaphore_mem>>)
        %dma_start3A_178 = tpu.memref_slice %arg5[%add3A_170] : memref<160000xf32, #tpu.memory_space<hbm>> -> memref<2000xf32, #tpu.memory_space<hbm>>
        %dma_start3A_179 = tpu.memref_slice %arg5[%add3A_170] : memref<160000xf32, #tpu.memory_space<hbm>> -> memref<2000xf32, #tpu.memory_space<hbm>>
        tpu.enqueue_dma source(%dma_start3A_179 : memref<2000xf32, #tpu.memory_space<hbm>>) target(%arg21 : memref<2000xf32, #tpu.memory_space<vmem>>) target_semaphore(%arg39 : memref<!tpu.dma_semaphore, #tpu.memory_space<semaphore_mem>>)
        %dma_start3A_180 = tpu.memref_slice %arg6[%add3A_170] : memref<160000xf32, #tpu.memory_space<hbm>> -> memref<2000xf32, #tpu.memory_space<hbm>>
        %dma_start3A_181 = tpu.memref_slice %arg6[%add3A_170] : memref<160000xf32, #tpu.memory_space<hbm>> -> memref<2000xf32, #tpu.memory_space<hbm>>
        tpu.enqueue_dma source(%dma_start3A_181 : memref<2000xf32, #tpu.memory_space<hbm>>) target(%arg22 : memref<2000xf32, #tpu.memory_space<vmem>>) target_semaphore(%arg39 : memref<!tpu.dma_semaphore, #tpu.memory_space<semaphore_mem>>)
        %dma_start3A_182 = tpu.memref_slice %arg7[%add3A_170] : memref<160000xf32, #tpu.memory_space<hbm>> -> memref<2000xf32, #tpu.memory_space<hbm>>
        %dma_start3A_183 = tpu.memref_slice %arg7[%add3A_170] : memref<160000xf32, #tpu.memory_space<hbm>> -> memref<2000xf32, #tpu.memory_space<hbm>>
        tpu.enqueue_dma source(%dma_start3A_183 : memref<2000xf32, #tpu.memory_space<hbm>>) target(%arg23 : memref<2000xf32, #tpu.memory_space<vmem>>) target_semaphore(%arg39 : memref<!tpu.dma_semaphore, #tpu.memory_space<semaphore_mem>>)
        %dma_start3A_184 = tpu.memref_slice %arg8[%mul3A_172] : memref<20000xf32, #tpu.memory_space<hbm>> -> memref<2000xf32, #tpu.memory_space<hbm>>
        %dma_start3A_185 = tpu.memref_slice %arg8[%mul3A_172] : memref<20000xf32, #tpu.memory_space<hbm>> -> memref<2000xf32, #tpu.memory_space<hbm>>
        tpu.enqueue_dma source(%dma_start3A_185 : memref<2000xf32, #tpu.memory_space<hbm>>) target(%arg24 : memref<2000xf32, #tpu.memory_space<vmem>>) target_semaphore(%arg39 : memref<!tpu.dma_semaphore, #tpu.memory_space<semaphore_mem>>)
        %dma_start3A_186 = tpu.memref_slice %arg9[%mul3A_172] : memref<20000xf32, #tpu.memory_space<hbm>> -> memref<2000xf32, #tpu.memory_space<hbm>>
        %dma_start3A_187 = tpu.memref_slice %arg9[%mul3A_172] : memref<20000xf32, #tpu.memory_space<hbm>> -> memref<2000xf32, #tpu.memory_space<hbm>>
        tpu.enqueue_dma source(%dma_start3A_187 : memref<2000xf32, #tpu.memory_space<hbm>>) target(%arg25 : memref<2000xf32, #tpu.memory_space<vmem>>) target_semaphore(%arg39 : memref<!tpu.dma_semaphore, #tpu.memory_space<semaphore_mem>>)
        %dma_start3A_188 = tpu.memref_slice %arg10[%mul3A_172] : memref<20000xf32, #tpu.memory_space<hbm>> -> memref<2000xf32, #tpu.memory_space<hbm>>
        %dma_start3A_189 = tpu.memref_slice %arg10[%mul3A_172] : memref<20000xf32, #tpu.memory_space<hbm>> -> memref<2000xf32, #tpu.memory_space<hbm>>
        tpu.enqueue_dma source(%dma_start3A_189 : memref<2000xf32, #tpu.memory_space<hbm>>) target(%arg26 : memref<2000xf32, #tpu.memory_space<vmem>>) target_semaphore(%arg39 : memref<!tpu.dma_semaphore, #tpu.memory_space<semaphore_mem>>)
        %dma_start3A_190 = tpu.memref_slice %arg11[%mul3A_172] : memref<20000xf32, #tpu.memory_space<hbm>> -> memref<2000xf32, #tpu.memory_space<hbm>>
        %dma_start3A_191 = tpu.memref_slice %arg11[%mul3A_172] : memref<20000xf32, #tpu.memory_space<hbm>> -> memref<2000xf32, #tpu.memory_space<hbm>>
        tpu.enqueue_dma source(%dma_start3A_191 : memref<2000xf32, #tpu.memory_space<hbm>>) target(%arg27 : memref<2000xf32, #tpu.memory_space<vmem>>) target_semaphore(%arg39 : memref<!tpu.dma_semaphore, #tpu.memory_space<semaphore_mem>>)
        %dma_wait3A = tpu.memref_slice %arg2[%add3A_170] : memref<160000xf32, #tpu.memory_space<hbm>> -> memref<2000xf32, #tpu.memory_space<hbm>>
        %dma_wait3A_192 = tpu.memref_slice %arg2[%add3A_170] : memref<160000xf32, #tpu.memory_space<hbm>> -> memref<2000xf32, #tpu.memory_space<hbm>>
        tpu.wait_dma2 semaphore(%arg39 : memref<!tpu.dma_semaphore, #tpu.memory_space<semaphore_mem>>) src(%dma_wait3A_192 : memref<2000xf32, #tpu.memory_space<hbm>>) dst(%arg18 : memref<2000xf32, #tpu.memory_space<vmem>>)
        %dma_wait3A_193 = tpu.memref_slice %arg3[%add3A_170] : memref<160000xf32, #tpu.memory_space<hbm>> -> memref<2000xf32, #tpu.memory_space<hbm>>
        %dma_wait3A_194 = tpu.memref_slice %arg3[%add3A_170] : memref<160000xf32, #tpu.memory_space<hbm>> -> memref<2000xf32, #tpu.memory_space<hbm>>
        tpu.wait_dma2 semaphore(%arg39 : memref<!tpu.dma_semaphore, #tpu.memory_space<semaphore_mem>>) src(%dma_wait3A_194 : memref<2000xf32, #tpu.memory_space<hbm>>) dst(%arg19 : memref<2000xf32, #tpu.memory_space<vmem>>)
        %dma_wait3A_195 = tpu.memref_slice %arg4[%add3A_170] : memref<160000xf32, #tpu.memory_space<hbm>> -> memref<2000xf32, #tpu.memory_space<hbm>>
        %dma_wait3A_196 = tpu.memref_slice %arg4[%add3A_170] : memref<160000xf32, #tpu.memory_space<hbm>> -> memref<2000xf32, #tpu.memory_space<hbm>>
        tpu.wait_dma2 semaphore(%arg39 : memref<!tpu.dma_semaphore, #tpu.memory_space<semaphore_mem>>) src(%dma_wait3A_196 : memref<2000xf32, #tpu.memory_space<hbm>>) dst(%arg20 : memref<2000xf32, #tpu.memory_space<vmem>>)
        %dma_wait3A_197 = tpu.memref_slice %arg5[%add3A_170] : memref<160000xf32, #tpu.memory_space<hbm>> -> memref<2000xf32, #tpu.memory_space<hbm>>
        %dma_wait3A_198 = tpu.memref_slice %arg5[%add3A_170] : memref<160000xf32, #tpu.memory_space<hbm>> -> memref<2000xf32, #tpu.memory_space<hbm>>
        tpu.wait_dma2 semaphore(%arg39 : memref<!tpu.dma_semaphore, #tpu.memory_space<semaphore_mem>>) src(%dma_wait3A_198 : memref<2000xf32, #tpu.memory_space<hbm>>) dst(%arg21 : memref<2000xf32, #tpu.memory_space<vmem>>)
        %dma_wait3A_199 = tpu.memref_slice %arg6[%add3A_170] : memref<160000xf32, #tpu.memory_space<hbm>> -> memref<2000xf32, #tpu.memory_space<hbm>>
        %dma_wait3A_200 = tpu.memref_slice %arg6[%add3A_170] : memref<160000xf32, #tpu.memory_space<hbm>> -> memref<2000xf32, #tpu.memory_space<hbm>>
        tpu.wait_dma2 semaphore(%arg39 : memref<!tpu.dma_semaphore, #tpu.memory_space<semaphore_mem>>) src(%dma_wait3A_200 : memref<2000xf32, #tpu.memory_space<hbm>>) dst(%arg22 : memref<2000xf32, #tpu.memory_space<vmem>>)
        %dma_wait3A_201 = tpu.memref_slice %arg7[%add3A_170] : memref<160000xf32, #tpu.memory_space<hbm>> -> memref<2000xf32, #tpu.memory_space<hbm>>
        %dma_wait3A_202 = tpu.memref_slice %arg7[%add3A_170] : memref<160000xf32, #tpu.memory_space<hbm>> -> memref<2000xf32, #tpu.memory_space<hbm>>
        tpu.wait_dma2 semaphore(%arg39 : memref<!tpu.dma_semaphore, #tpu.memory_space<semaphore_mem>>) src(%dma_wait3A_202 : memref<2000xf32, #tpu.memory_space<hbm>>) dst(%arg23 : memref<2000xf32, #tpu.memory_space<vmem>>)
        %dma_wait3A_203 = tpu.memref_slice %arg8[%mul3A_172] : memref<20000xf32, #tpu.memory_space<hbm>> -> memref<2000xf32, #tpu.memory_space<hbm>>
        %dma_wait3A_204 = tpu.memref_slice %arg8[%mul3A_172] : memref<20000xf32, #tpu.memory_space<hbm>> -> memref<2000xf32, #tpu.memory_space<hbm>>
        tpu.wait_dma2 semaphore(%arg39 : memref<!tpu.dma_semaphore, #tpu.memory_space<semaphore_mem>>) src(%dma_wait3A_204 : memref<2000xf32, #tpu.memory_space<hbm>>) dst(%arg24 : memref<2000xf32, #tpu.memory_space<vmem>>)
        %dma_wait3A_205 = tpu.memref_slice %arg9[%mul3A_172] : memref<20000xf32, #tpu.memory_space<hbm>> -> memref<2000xf32, #tpu.memory_space<hbm>>
        %dma_wait3A_206 = tpu.memref_slice %arg9[%mul3A_172] : memref<20000xf32, #tpu.memory_space<hbm>> -> memref<2000xf32, #tpu.memory_space<hbm>>
        tpu.wait_dma2 semaphore(%arg39 : memref<!tpu.dma_semaphore, #tpu.memory_space<semaphore_mem>>) src(%dma_wait3A_206 : memref<2000xf32, #tpu.memory_space<hbm>>) dst(%arg25 : memref<2000xf32, #tpu.memory_space<vmem>>)
        %dma_wait3A_207 = tpu.memref_slice %arg10[%mul3A_172] : memref<20000xf32, #tpu.memory_space<hbm>> -> memref<2000xf32, #tpu.memory_space<hbm>>
        %dma_wait3A_208 = tpu.memref_slice %arg10[%mul3A_172] : memref<20000xf32, #tpu.memory_space<hbm>> -> memref<2000xf32, #tpu.memory_space<hbm>>
        tpu.wait_dma2 semaphore(%arg39 : memref<!tpu.dma_semaphore, #tpu.memory_space<semaphore_mem>>) src(%dma_wait3A_208 : memref<2000xf32, #tpu.memory_space<hbm>>) dst(%arg26 : memref<2000xf32, #tpu.memory_space<vmem>>)
        %dma_wait3A_209 = tpu.memref_slice %arg11[%mul3A_172] : memref<20000xf32, #tpu.memory_space<hbm>> -> memref<2000xf32, #tpu.memory_space<hbm>>
        %dma_wait3A_210 = tpu.memref_slice %arg11[%mul3A_172] : memref<20000xf32, #tpu.memory_space<hbm>> -> memref<2000xf32, #tpu.memory_space<hbm>>
        tpu.wait_dma2 semaphore(%arg39 : memref<!tpu.dma_semaphore, #tpu.memory_space<semaphore_mem>>) src(%dma_wait3A_210 : memref<2000xf32, #tpu.memory_space<hbm>>) dst(%arg27 : memref<2000xf32, #tpu.memory_space<vmem>>)
        %scan3A_211 = arith.constant 0 : i32
        %scan3A_212 = arith.constant 125 : i32
        %scan3A_213 = arith.addi %scan3A_211, %scan3A_212 : i32
        %scan3A_214 = arith.constant 1 : i32
        %scan3A_215:2 = scf.for %scan3A_217 = %scan3A_211 to %scan3A_213 step %scan3A_214 iter_args(%scan3A_218 = %scan3A_166, %scan3A_219 = %scan3A_167) -> (i32, vector<16xf32>)  : i32 {
          %mul3A_220 = arith.constant 16 : i32
          %mul3A_221 = arith.muli %scan3A_217, %mul3A_220 : i32
          %get3A_222 = arith.index_cast %mul3A_221 : i32 to index
          %get3A_223 = tpu.vector_load %arg18[%get3A_222] {strides = array<i32>} : memref<2000xf32, #tpu.memory_space<vmem>>, vector<16xf32>,
          %get3A_224 = arith.index_cast %mul3A_221 : i32 to index
          %get3A_225 = tpu.vector_load %arg19[%get3A_224] {strides = array<i32>} : memref<2000xf32, #tpu.memory_space<vmem>>, vector<16xf32>,
          %max3A = arith.maximumf %get3A_223, %get3A_225 : vector<16xf32>
          %sub3A_226 = arith.subf %get3A_223, %max3A : vector<16xf32>
          %exp3A = math.exp %sub3A_226 : vector<16xf32>
          %sub3A_227 = arith.subf %get3A_225, %max3A : vector<16xf32>
          %exp3A_228 = math.exp %sub3A_227 : vector<16xf32>
          %add3A_229 = arith.addf %exp3A, %exp3A_228 : vector<16xf32>
          %div3A_230 = arith.divf %exp3A_228, %add3A_229 : vector<16xf32>
          %get3A_231 = arith.index_cast %mul3A_221 : i32 to index
          %get3A_232 = tpu.vector_load %arg24[%get3A_231] {strides = array<i32>} : memref<2000xf32, #tpu.memory_space<vmem>>, vector<16xf32>,
          %get3A_233 = arith.index_cast %mul3A_221 : i32 to index
          %get3A_234 = tpu.vector_load %arg25[%get3A_233] {strides = array<i32>} : memref<2000xf32, #tpu.memory_space<vmem>>, vector<16xf32>,
          %get3A_235 = arith.index_cast %mul3A_221 : i32 to index
          %get3A_236 = tpu.vector_load %arg26[%get3A_235] {strides = array<i32>} : memref<2000xf32, #tpu.memory_space<vmem>>, vector<16xf32>,
          %get3A_237 = arith.index_cast %mul3A_221 : i32 to index
          %get3A_238 = tpu.vector_load %arg27[%get3A_237] {strides = array<i32>} : memref<2000xf32, #tpu.memory_space<vmem>>, vector<16xf32>,
          %get3A_239 = arith.index_cast %mul3A_221 : i32 to index
          %get3A_240 = tpu.vector_load %arg20[%get3A_239] {strides = array<i32>} : memref<2000xf32, #tpu.memory_space<vmem>>, vector<16xf32>,
          %mul3A_241 = arith.constant 1.000000e-01 : f32
          %mul3A_242 = vector.broadcast %mul3A_241 : f32 to vector<16xf32>
          %mul3A_243 = arith.mulf %get3A_240, %mul3A_242 : vector<16xf32>
          %mul3A_244 = arith.mulf %mul3A_243, %get3A_236 : vector<16xf32>
          %add3A_245 = arith.addf %get3A_232, %mul3A_244 : vector<16xf32>
          %get3A_246 = arith.index_cast %mul3A_221 : i32 to index
          %get3A_247 = tpu.vector_load %arg21[%get3A_246] {strides = array<i32>} : memref<2000xf32, #tpu.memory_space<vmem>>, vector<16xf32>,
          %mul3A_248 = arith.constant 1.000000e-01 : f32
          %mul3A_249 = vector.broadcast %mul3A_248 : f32 to vector<16xf32>
          %mul3A_250 = arith.mulf %get3A_247, %mul3A_249 : vector<16xf32>
          %mul3A_251 = arith.mulf %mul3A_250, %get3A_238 : vector<16xf32>
          %add3A_252 = arith.addf %get3A_234, %mul3A_251 : vector<16xf32>
          %get3A_253 = arith.index_cast %mul3A_221 : i32 to index
          %get3A_254 = tpu.vector_load %arg22[%get3A_253] {strides = array<i32>} : memref<2000xf32, #tpu.memory_space<vmem>>, vector<16xf32>,
          %mul3A_255 = arith.constant 2.000000e-01 : f32
          %mul3A_256 = vector.broadcast %mul3A_255 : f32 to vector<16xf32>
          %mul3A_257 = arith.mulf %get3A_254, %mul3A_256 : vector<16xf32>
          %exp3A_258 = math.exp %mul3A_257 : vector<16xf32>
          %mul3A_259 = arith.mulf %get3A_236, %exp3A_258 : vector<16xf32>
          %get3A_260 = arith.index_cast %mul3A_221 : i32 to index
          %get3A_261 = tpu.vector_load %arg23[%get3A_260] {strides = array<i32>} : memref<2000xf32, #tpu.memory_space<vmem>>, vector<16xf32>,
          %mul3A_262 = arith.constant 2.000000e-01 : f32
          %mul3A_263 = vector.broadcast %mul3A_262 : f32 to vector<16xf32>
          %mul3A_264 = arith.mulf %get3A_261, %mul3A_263 : vector<16xf32>
          %exp3A_265 = math.exp %mul3A_264 : vector<16xf32>
          %mul3A_266 = arith.mulf %get3A_238, %exp3A_265 : vector<16xf32>
          %div3A_267 = arith.constant 2.000000e+00 : f32
          %div3A_268 = vector.broadcast %div3A_267 : f32 to vector<16xf32>
          %div3A_269 = arith.divf %mul3A_259, %div3A_268 : vector<16xf32>
          %sub3A_270 = arith.subf %add3A_245, %div3A_269 : vector<16xf32>
          %div3A_271 = arith.constant 2.000000e+00 : f32
          %div3A_272 = vector.broadcast %div3A_271 : f32 to vector<16xf32>
          %div3A_273 = arith.divf %mul3A_266, %div3A_272 : vector<16xf32>
          %sub3A_274 = arith.subf %add3A_252, %div3A_273 : vector<16xf32>
          %mul3A_275 = arith.constant 1.024000e+03 : f32
          %mul3A_276 = vector.broadcast %mul3A_275 : f32 to vector<16xf32>
          %mul3A_277 = arith.mulf %sub3A_270, %mul3A_276 : vector<16xf32>
          %mul3A_278 = arith.constant 1.024000e+03 : f32
          %mul3A_279 = vector.broadcast %mul3A_278 : f32 to vector<16xf32>
          %mul3A_280 = arith.mulf %sub3A_274, %mul3A_279 : vector<16xf32>
          %add3A_281 = arith.addf %sub3A_270, %mul3A_259 : vector<16xf32>
          %mul3A_282 = arith.constant 1.024000e+03 : f32
          %mul3A_283 = vector.broadcast %mul3A_282 : f32 to vector<16xf32>
          %mul3A_284 = arith.mulf %add3A_281, %mul3A_283 : vector<16xf32>
          %add3A_285 = arith.addf %sub3A_274, %mul3A_266 : vector<16xf32>
          %mul3A_286 = arith.constant 1.024000e+03 : f32
          %mul3A_287 = vector.broadcast %mul3A_286 : f32 to vector<16xf32>
          %mul3A_288 = arith.mulf %add3A_285, %mul3A_287 : vector<16xf32>
          %gt3A_289 = arith.constant 3.000000e-01 : f32
          %gt3A_290 = vector.broadcast %gt3A_289 : f32 to vector<16xf32>
          %gt3A_291 = arith.cmpf ogt, %div3A_230, %gt3A_290 : vector<16xf32>
          %max3A_292 = arith.maximumf %mul3A_277, %mul3A_280 : vector<16xf32>
          %max3A_293 = arith.maximumf %mul3A_284, %mul3A_288 : vector<16xf32>
          %max3A_294 = arith.maximumf %max3A_292, %max3A_293 : vector<16xf32>
          %jit3A_295 = arith.constant 0xFF800000 : f32
          %broadcast_in_dim3A_296 = vector.broadcast %jit3A_295 : f32 to vector<16xf32>
          %select_n3A_297 = arith.select %gt3A_291, %max3A_294, %broadcast_in_dim3A_296 : vector<16xi1>, vector<16xf32>
          %max3A_298 = arith.maximumf %scan3A_219, %select_n3A_297 : vector<16xf32>
          %swap3A_299 = arith.index_cast %scan3A_218 : i32 to index
          %swap3A_300 = tpu.vector_load %arg28[%swap3A_299] masked %gt3A_291 {strides = array<i32>} : memref<20016xf32, #tpu.memory_space<vmem>>, vector<16xf32>, vector<16xi1>
          tpu.vector_store %arg28[%swap3A_299], %mul3A_277 masked %gt3A_291 {strides = array<i32>} : memref<20016xf32, #tpu.memory_space<vmem>>, vector<16xf32>, vector<16xi1>
          %swap3A_301 = arith.index_cast %scan3A_218 : i32 to index
          %swap3A_302 = tpu.vector_load %arg29[%swap3A_301] masked %gt3A_291 {strides = array<i32>} : memref<20016xf32, #tpu.memory_space<vmem>>, vector<16xf32>, vector<16xi1>
          tpu.vector_store %arg29[%swap3A_301], %mul3A_280 masked %gt3A_291 {strides = array<i32>} : memref<20016xf32, #tpu.memory_space<vmem>>, vector<16xf32>, vector<16xi1>
          %swap3A_303 = arith.index_cast %scan3A_218 : i32 to index
          %swap3A_304 = tpu.vector_load %arg30[%swap3A_303] masked %gt3A_291 {strides = array<i32>} : memref<20016xf32, #tpu.memory_space<vmem>>, vector<16xf32>, vector<16xi1>
          tpu.vector_store %arg30[%swap3A_303], %mul3A_284 masked %gt3A_291 {strides = array<i32>} : memref<20016xf32, #tpu.memory_space<vmem>>, vector<16xf32>, vector<16xi1>
          %swap3A_305 = arith.index_cast %scan3A_218 : i32 to index
          %swap3A_306 = tpu.vector_load %arg31[%swap3A_305] masked %gt3A_291 {strides = array<i32>} : memref<20016xf32, #tpu.memory_space<vmem>>, vector<16xf32>, vector<16xi1>
          tpu.vector_store %arg31[%swap3A_305], %mul3A_288 masked %gt3A_291 {strides = array<i32>} : memref<20016xf32, #tpu.memory_space<vmem>>, vector<16xf32>, vector<16xi1>
          %swap3A_307 = arith.index_cast %scan3A_218 : i32 to index
          %swap3A_308 = tpu.vector_load %arg32[%swap3A_307] masked %gt3A_291 {strides = array<i32>} : memref<20016xf32, #tpu.memory_space<vmem>>, vector<16xf32>, vector<16xi1>
          tpu.vector_store %arg32[%swap3A_307], %div3A_230 masked %gt3A_291 {strides = array<i32>} : memref<20016xf32, #tpu.memory_space<vmem>>, vector<16xf32>, vector<16xi1>
          %convert_element_type3A_309 = arith.extui %gt3A_291 : vector<16xi1> to vector<16xi32>
          %reduce_sum3A = arith.constant true
          %reduce_sum3A_310 = vector.broadcast %reduce_sum3A : i1 to vector<16xi1>
          %reduce_sum3A_311 = tpu.scan <sum>, %convert_element_type3A_309 masked %reduce_sum3A_310 : vector<16xi32>, vector<16xi1> -> vector<16xi32>
          %reduce_sum3A_312 = vector.extract %reduce_sum3A_311[15] : i32 from vector<16xi32>
          %add3A_313 = arith.addi %scan3A_218, %reduce_sum3A_312 : i32
          scf.yield %add3A_313, %max3A_298 : i32, vector<16xf32>
        }
        %scan3A_216 = arith.constant 125 : i32
        scf.yield %scan3A_215#0, %scan3A_215#1 : i32, vector<16xf32>
      }
      %scan3A_20 = arith.constant 10 : i32
      %reduce_max3A = arith.constant true
      %reduce_max3A_21 = vector.broadcast %reduce_max3A : i1 to vector<16xi1>
      %reduce_max3A_22 = tpu.scan <max>, %scan3A_19#1 masked %reduce_max3A_21 : vector<16xf32>, vector<16xi1> -> vector<16xf32>
      %reduce_max3A_23 = vector.extract %reduce_max3A_22[15] : f32 from vector<16xf32>
      %eq3A = arith.cmpf oeq, %reduce_max3A_23, %reduce_max3A_23 : f32
      %abs3A = math.absf %reduce_max3A_23 : f32
      %ne3A = arith.constant 0x7F800000 : f32
      %ne3A_24 = arith.cmpf one, %abs3A, %ne3A : f32
      %and3A = arith.andi %eq3A, %ne3A_24 : i1
      %jit3A = arith.constant 0.000000e+00 : f32
      %select_n3A = arith.select %and3A, %reduce_max3A_23, %jit3A : f32
      %add3A_25 = arith.constant 1.000000e+00 : f32
      %add3A_26 = arith.addf %select_n3A, %add3A_25 : f32
      %add3A_27 = arith.constant 15 : i32
      %add3A_28 = arith.addi %scan3A_19#0, %add3A_27 : i32
      %jit3A_29 = arith.constant 16 : i32
      %div3A = arith.divsi %add3A_28, %jit3A_29 : i32
      %sign3A = arith.constant 0 : i32
      %sign3A_30 = arith.cmpi sgt, %add3A_28, %sign3A : i32
      %sign3A_31 = arith.extui %sign3A_30 : i1 to i32
      %sign3A_32 = arith.constant 0 : i32
      %sign3A_33 = arith.cmpi slt, %add3A_28, %sign3A_32 : i32
      %sign3A_34 = arith.extui %sign3A_33 : i1 to i32
      %sign3A_35 = arith.subi %sign3A_31, %sign3A_34 : i32
      %sign3A_36 = arith.constant 0 : i32
      %sign3A_37 = arith.cmpi sgt, %jit3A_29, %sign3A_36 : i32
      %sign3A_38 = arith.extui %sign3A_37 : i1 to i32
      %sign3A_39 = arith.constant 0 : i32
      %sign3A_40 = arith.cmpi slt, %jit3A_29, %sign3A_39 : i32
      %sign3A_41 = arith.extui %sign3A_40 : i1 to i32
      %sign3A_42 = arith.subi %sign3A_38, %sign3A_41 : i32
      %ne3A_43 = arith.cmpi ne, %sign3A_35, %sign3A_42 : i32
      %rem3A = arith.remsi %add3A_28, %jit3A_29 : i32
      %ne3A_44 = arith.constant 0 : i32
      %ne3A_45 = arith.cmpi ne, %rem3A, %ne3A_44 : i32
      %and3A_46 = arith.andi %ne3A_43, %ne3A_45 : i1
      %sub3A = arith.constant 1 : i32
      %sub3A_47 = arith.subi %div3A, %sub3A : i32
      %select_n3A_48 = arith.select %and3A_46, %sub3A_47, %div3A : i32
      %broadcast_in_dim3A_49 = arith.constant 0xFF800000 : f32
      %broadcast_in_dim3A_50 = vector.broadcast %broadcast_in_dim3A_49 : f32 to vector<16xf32>
      %broadcast_in_dim3A_51 = arith.constant 0 : i32
      %broadcast_in_dim3A_52 = vector.broadcast %broadcast_in_dim3A_51 : i32 to vector<16xi32>
      %while3A = arith.constant 0 : i32
      %while3A_53 = arith.subi %select_n3A_48, %while3A : i32
      %while3A_54 = arith.addi %while3A, %while3A_53 : i32
      %while3A_55 = arith.constant 1 : i32
      %while3A_56 = arith.divsi %while3A_53, %while3A_55 : i32
      %while3A_57 = arith.muli %while3A_56, %while3A_55 : i32
      %while3A_58 = arith.addi %while3A, %while3A_57 : i32
      %while3A_59 = arith.constant 1 : i32
      %while3A_60:2 = scf.for %while3A_165 = %while3A to %while3A_58 step %while3A_59 iter_args(%while3A_166 = %broadcast_in_dim3A_50, %while3A_167 = %broadcast_in_dim3A_52) -> (vector<16xf32>, vector<16xi32>)  : i32 {
        %mul3A_168 = arith.constant 16 : i32
        %mul3A_169 = arith.muli %while3A_165, %mul3A_168 : i32
        %get3A_170 = arith.index_cast %mul3A_169 : i32 to index
        %get3A_171 = tpu.vector_load %arg28[%get3A_170] {strides = array<i32>} : memref<20016xf32, #tpu.memory_space<vmem>>, vector<16xf32>,
        %add3A_172 = vector.broadcast %add3A_26 : f32 to vector<16xf32>
        %add3A_173 = arith.addf %get3A_171, %add3A_172 : vector<16xf32>
        %swap3A_174 = arith.index_cast %mul3A_169 : i32 to index
        %swap3A_175 = tpu.vector_load %arg28[%swap3A_174] {strides = array<i32>} : memref<20016xf32, #tpu.memory_space<vmem>>, vector<16xf32>,
        tpu.vector_store %arg28[%swap3A_174], %add3A_173 {strides = array<i32>} : memref<20016xf32, #tpu.memory_space<vmem>>, vector<16xf32>,
        %get3A_176 = arith.index_cast %mul3A_169 : i32 to index
        %get3A_177 = tpu.vector_load %arg29[%get3A_176] {strides = array<i32>} : memref<20016xf32, #tpu.memory_space<vmem>>, vector<16xf32>,
        %add3A_178 = vector.broadcast %add3A_26 : f32 to vector<16xf32>
        %add3A_179 = arith.addf %get3A_177, %add3A_178 : vector<16xf32>
        %swap3A_180 = arith.index_cast %mul3A_169 : i32 to index
        %swap3A_181 = tpu.vector_load %arg29[%swap3A_180] {strides = array<i32>} : memref<20016xf32, #tpu.memory_space<vmem>>, vector<16xf32>,
        tpu.vector_store %arg29[%swap3A_180], %add3A_179 {strides = array<i32>} : memref<20016xf32, #tpu.memory_space<vmem>>, vector<16xf32>,
        %get3A_182 = arith.index_cast %mul3A_169 : i32 to index
        %get3A_183 = tpu.vector_load %arg30[%get3A_182] {strides = array<i32>} : memref<20016xf32, #tpu.memory_space<vmem>>, vector<16xf32>,
        %add3A_184 = vector.broadcast %add3A_26 : f32 to vector<16xf32>
        %add3A_185 = arith.addf %get3A_183, %add3A_184 : vector<16xf32>
        %swap3A_186 = arith.index_cast %mul3A_169 : i32 to index
        %swap3A_187 = tpu.vector_load %arg30[%swap3A_186] {strides = array<i32>} : memref<20016xf32, #tpu.memory_space<vmem>>, vector<16xf32>,
        tpu.vector_store %arg30[%swap3A_186], %add3A_185 {strides = array<i32>} : memref<20016xf32, #tpu.memory_space<vmem>>, vector<16xf32>,
        %get3A_188 = arith.index_cast %mul3A_169 : i32 to index
        %get3A_189 = tpu.vector_load %arg31[%get3A_188] {strides = array<i32>} : memref<20016xf32, #tpu.memory_space<vmem>>, vector<16xf32>,
        %add3A_190 = vector.broadcast %add3A_26 : f32 to vector<16xf32>
        %add3A_191 = arith.addf %get3A_189, %add3A_190 : vector<16xf32>
        %swap3A_192 = arith.index_cast %mul3A_169 : i32 to index
        %swap3A_193 = tpu.vector_load %arg31[%swap3A_192] {strides = array<i32>} : memref<20016xf32, #tpu.memory_space<vmem>>, vector<16xf32>,
        tpu.vector_store %arg31[%swap3A_192], %add3A_191 {strides = array<i32>} : memref<20016xf32, #tpu.memory_space<vmem>>, vector<16xf32>,
        %get3A_194 = arith.index_cast %mul3A_169 : i32 to index
        %get3A_195 = tpu.vector_load %arg32[%get3A_194] {strides = array<i32>} : memref<20016xf32, #tpu.memory_space<vmem>>, vector<16xf32>,
        %add3A_196 = vector.broadcast %mul3A_169 : i32 to vector<16xi32>
        %add3A_197 = arith.addi %add3A_196, %iota3A : vector<16xi32>
        %lt3A_198 = vector.broadcast %scan3A_19#0 : i32 to vector<16xi32>
        %lt3A_199 = arith.cmpi slt, %add3A_197, %lt3A_198 : vector<16xi32>
        %jit3A_200 = arith.constant 0xFF800000 : f32
        %broadcast_in_dim3A_201 = vector.broadcast %jit3A_200 : f32 to vector<16xf32>
        %select_n3A_202 = arith.select %lt3A_199, %get3A_195, %broadcast_in_dim3A_201 : vector<16xi1>, vector<16xf32>
        %gt3A_203 = arith.cmpf ogt, %select_n3A_202, %while3A_166 : vector<16xf32>
        %add3A_204 = vector.broadcast %mul3A_169 : i32 to vector<16xi32>
        %add3A_205 = arith.addi %add3A_204, %iota3A : vector<16xi32>
        %select_n3A_206 = arith.select %gt3A_203, %add3A_205, %while3A_167 : vector<16xi1>, vector<16xi32>
        %max3A = arith.maximumf %while3A_166, %select_n3A_202 : vector<16xf32>
        scf.yield %max3A, %select_n3A_206 : vector<16xf32>, vector<16xi32>
      }
      %while3A_61 = arith.constant 1 : i32
      %while3A_62:2 = scf.for %while3A_165 = %while3A_58 to %while3A_54 step %while3A_61 iter_args(%while3A_166 = %while3A_60#0, %while3A_167 = %while3A_60#1) -> (vector<16xf32>, vector<16xi32>)  : i32 {
        %mul3A_168 = arith.constant 16 : i32
        %mul3A_169 = arith.muli %while3A_165, %mul3A_168 : i32
        %get3A_170 = arith.index_cast %mul3A_169 : i32 to index
        %get3A_171 = tpu.vector_load %arg28[%get3A_170] {strides = array<i32>} : memref<20016xf32, #tpu.memory_space<vmem>>, vector<16xf32>,
        %add3A_172 = vector.broadcast %add3A_26 : f32 to vector<16xf32>
        %add3A_173 = arith.addf %get3A_171, %add3A_172 : vector<16xf32>
        %swap3A_174 = arith.index_cast %mul3A_169 : i32 to index
        %swap3A_175 = tpu.vector_load %arg28[%swap3A_174] {strides = array<i32>} : memref<20016xf32, #tpu.memory_space<vmem>>, vector<16xf32>,
        tpu.vector_store %arg28[%swap3A_174], %add3A_173 {strides = array<i32>} : memref<20016xf32, #tpu.memory_space<vmem>>, vector<16xf32>,
        %get3A_176 = arith.index_cast %mul3A_169 : i32 to index
        %get3A_177 = tpu.vector_load %arg29[%get3A_176] {strides = array<i32>} : memref<20016xf32, #tpu.memory_space<vmem>>, vector<16xf32>,
        %add3A_178 = vector.broadcast %add3A_26 : f32 to vector<16xf32>
        %add3A_179 = arith.addf %get3A_177, %add3A_178 : vector<16xf32>
        %swap3A_180 = arith.index_cast %mul3A_169 : i32 to index
        %swap3A_181 = tpu.vector_load %arg29[%swap3A_180] {strides = array<i32>} : memref<20016xf32, #tpu.memory_space<vmem>>, vector<16xf32>,
        tpu.vector_store %arg29[%swap3A_180], %add3A_179 {strides = array<i32>} : memref<20016xf32, #tpu.memory_space<vmem>>, vector<16xf32>,
        %get3A_182 = arith.index_cast %mul3A_169 : i32 to index
        %get3A_183 = tpu.vector_load %arg30[%get3A_182] {strides = array<i32>} : memref<20016xf32, #tpu.memory_space<vmem>>, vector<16xf32>,
        %add3A_184 = vector.broadcast %add3A_26 : f32 to vector<16xf32>
        %add3A_185 = arith.addf %get3A_183, %add3A_184 : vector<16xf32>
        %swap3A_186 = arith.index_cast %mul3A_169 : i32 to index
        %swap3A_187 = tpu.vector_load %arg30[%swap3A_186] {strides = array<i32>} : memref<20016xf32, #tpu.memory_space<vmem>>, vector<16xf32>,
        tpu.vector_store %arg30[%swap3A_186], %add3A_185 {strides = array<i32>} : memref<20016xf32, #tpu.memory_space<vmem>>, vector<16xf32>,
        %get3A_188 = arith.index_cast %mul3A_169 : i32 to index
        %get3A_189 = tpu.vector_load %arg31[%get3A_188] {strides = array<i32>} : memref<20016xf32, #tpu.memory_space<vmem>>, vector<16xf32>,
        %add3A_190 = vector.broadcast %add3A_26 : f32 to vector<16xf32>
        %add3A_191 = arith.addf %get3A_189, %add3A_190 : vector<16xf32>
        %swap3A_192 = arith.index_cast %mul3A_169 : i32 to index
        %swap3A_193 = tpu.vector_load %arg31[%swap3A_192] {strides = array<i32>} : memref<20016xf32, #tpu.memory_space<vmem>>, vector<16xf32>,
        tpu.vector_store %arg31[%swap3A_192], %add3A_191 {strides = array<i32>} : memref<20016xf32, #tpu.memory_space<vmem>>, vector<16xf32>,
        %get3A_194 = arith.index_cast %mul3A_169 : i32 to index
        %get3A_195 = tpu.vector_load %arg32[%get3A_194] {strides = array<i32>} : memref<20016xf32, #tpu.memory_space<vmem>>, vector<16xf32>,
        %add3A_196 = vector.broadcast %mul3A_169 : i32 to vector<16xi32>
        %add3A_197 = arith.addi %add3A_196, %iota3A : vector<16xi32>
        %lt3A_198 = vector.broadcast %scan3A_19#0 : i32 to vector<16xi32>
        %lt3A_199 = arith.cmpi slt, %add3A_197, %lt3A_198 : vector<16xi32>
        %jit3A_200 = arith.constant 0xFF800000 : f32
        %broadcast_in_dim3A_201 = vector.broadcast %jit3A_200 : f32 to vector<16xf32>
        %select_n3A_202 = arith.select %lt3A_199, %get3A_195, %broadcast_in_dim3A_201 : vector<16xi1>, vector<16xf32>
        %gt3A_203 = arith.cmpf ogt, %select_n3A_202, %while3A_166 : vector<16xf32>
        %add3A_204 = vector.broadcast %mul3A_169 : i32 to vector<16xi32>
        %add3A_205 = arith.addi %add3A_204, %iota3A : vector<16xi32>
        %select_n3A_206 = arith.select %gt3A_203, %add3A_205, %while3A_167 : vector<16xi1>, vector<16xi32>
        %max3A = arith.maximumf %while3A_166, %select_n3A_202 : vector<16xf32>
        scf.yield %max3A, %select_n3A_206 : vector<16xf32>, vector<16xi32>
      }
      %reduce_max3A_63 = arith.constant true
      %reduce_max3A_64 = vector.broadcast %reduce_max3A_63 : i1 to vector<16xi1>
      %reduce_max3A_65 = tpu.scan <max>, %while3A_62#0 masked %reduce_max3A_64 : vector<16xf32>, vector<16xi1> -> vector<16xf32>
      %reduce_max3A_66 = vector.extract %reduce_max3A_65[15] : f32 from vector<16xf32>
      %gt3A = arith.constant 0xFF800000 : f32
      %gt3A_67 = arith.cmpf ogt, %reduce_max3A_66, %gt3A : f32
      %eq3A_68 = vector.broadcast %reduce_max3A_66 : f32 to vector<16xf32>
      %eq3A_69 = arith.cmpf oeq, %while3A_62#0, %eq3A_68 : vector<16xf32>
      %jit3A_70 = arith.constant 2147483647 : i32
      %broadcast_in_dim3A_71 = vector.broadcast %jit3A_70 : i32 to vector<16xi32>
      %select_n3A_72 = arith.select %eq3A_69, %while3A_62#1, %broadcast_in_dim3A_71 : vector<16xi1>, vector<16xi32>
      %reduce_min3A = arith.constant true
      %reduce_min3A_73 = vector.broadcast %reduce_min3A : i1 to vector<16xi1>
      %reduce_min3A_74 = arith.constant -2147483648 : i32
      %reduce_min3A_75 = vector.broadcast %reduce_min3A_74 : i32 to vector<16xi32>
      %reduce_min3A_76 = arith.xori %select_n3A_72, %reduce_min3A_75 : vector<16xi32>
      %reduce_min3A_77 = tpu.scan <min>, %reduce_min3A_76 masked %reduce_min3A_73 : vector<16xi32>, vector<16xi1> -> vector<16xi32>
      %reduce_min3A_78 = arith.xori %reduce_min3A_77, %reduce_min3A_75 : vector<16xi32>
      %reduce_min3A_79 = vector.extract %reduce_min3A_78[15] : i32 from vector<16xi32>
      %jit3A_80 = arith.constant 0 : i32
      %select_n3A_81 = arith.select %gt3A_67, %reduce_min3A_79, %jit3A_80 : i32
      %jit3A_82 = arith.constant 16 : i32
      %div3A_83 = arith.divsi %select_n3A_81, %jit3A_82 : i32
      %sign3A_84 = arith.constant 0 : i32
      %sign3A_85 = arith.cmpi sgt, %select_n3A_81, %sign3A_84 : i32
      %sign3A_86 = arith.extui %sign3A_85 : i1 to i32
      %sign3A_87 = arith.constant 0 : i32
      %sign3A_88 = arith.cmpi slt, %select_n3A_81, %sign3A_87 : i32
      %sign3A_89 = arith.extui %sign3A_88 : i1 to i32
      %sign3A_90 = arith.subi %sign3A_86, %sign3A_89 : i32
      %sign3A_91 = arith.constant 0 : i32
      %sign3A_92 = arith.cmpi sgt, %jit3A_82, %sign3A_91 : i32
      %sign3A_93 = arith.extui %sign3A_92 : i1 to i32
      %sign3A_94 = arith.constant 0 : i32
      %sign3A_95 = arith.cmpi slt, %jit3A_82, %sign3A_94 : i32
      %sign3A_96 = arith.extui %sign3A_95 : i1 to i32
      %sign3A_97 = arith.subi %sign3A_93, %sign3A_96 : i32
      %ne3A_98 = arith.cmpi ne, %sign3A_90, %sign3A_97 : i32
      %rem3A_99 = arith.remsi %select_n3A_81, %jit3A_82 : i32
      %ne3A_100 = arith.constant 0 : i32
      %ne3A_101 = arith.cmpi ne, %rem3A_99, %ne3A_100 : i32
      %and3A_102 = arith.andi %ne3A_98, %ne3A_101 : i1
      %sub3A_103 = arith.constant 1 : i32
      %sub3A_104 = arith.subi %div3A_83, %sub3A_103 : i32
      %select_n3A_105 = arith.select %and3A_102, %sub3A_104, %div3A_83 : i32
      %mul3A_106 = arith.constant 16 : i32
      %mul3A_107 = arith.muli %select_n3A_105, %mul3A_106 : i32
      %sub3A_108 = arith.subi %select_n3A_81, %mul3A_107 : i32
      %eq3A_109 = vector.broadcast %sub3A_108 : i32 to vector<16xi32>
      %eq3A_110 = arith.cmpi eq, %iota3A, %eq3A_109 : vector<16xi32>
      %jit3A_111 = arith.constant 0xFF800000 : f32
      %select_n3A_112 = arith.select %gt3A_67, %reduce_max3A_66, %jit3A_111 : f32
      %get3A = arith.index_cast %mul3A_107 : i32 to index
      %get3A_113 = tpu.vector_load %arg28[%get3A] {strides = array<i32>} : memref<20016xf32, #tpu.memory_space<vmem>>, vector<16xf32>,
      %jit3A_114 = arith.constant 0xFF800000 : f32
      %broadcast_in_dim3A_115 = vector.broadcast %jit3A_114 : f32 to vector<16xf32>
      %select_n3A_116 = arith.select %eq3A_110, %get3A_113, %broadcast_in_dim3A_115 : vector<16xi1>, vector<16xf32>
      %reduce_max3A_117 = arith.constant true
      %reduce_max3A_118 = vector.broadcast %reduce_max3A_117 : i1 to vector<16xi1>
      %reduce_max3A_119 = tpu.scan <max>, %select_n3A_116 masked %reduce_max3A_118 : vector<16xf32>, vector<16xi1> -> vector<16xf32>
      %reduce_max3A_120 = vector.extract %reduce_max3A_119[15] : f32 from vector<16xf32>
      %get3A_121 = arith.index_cast %mul3A_107 : i32 to index
      %get3A_122 = tpu.vector_load %arg29[%get3A_121] {strides = array<i32>} : memref<20016xf32, #tpu.memory_space<vmem>>, vector<16xf32>,
      %jit3A_123 = arith.constant 0xFF800000 : f32
      %broadcast_in_dim3A_124 = vector.broadcast %jit3A_123 : f32 to vector<16xf32>
      %select_n3A_125 = arith.select %eq3A_110, %get3A_122, %broadcast_in_dim3A_124 : vector<16xi1>, vector<16xf32>
      %reduce_max3A_126 = arith.constant true
      %reduce_max3A_127 = vector.broadcast %reduce_max3A_126 : i1 to vector<16xi1>
      %reduce_max3A_128 = tpu.scan <max>, %select_n3A_125 masked %reduce_max3A_127 : vector<16xf32>, vector<16xi1> -> vector<16xf32>
      %reduce_max3A_129 = vector.extract %reduce_max3A_128[15] : f32 from vector<16xf32>
      %get3A_130 = arith.index_cast %mul3A_107 : i32 to index
      %get3A_131 = tpu.vector_load %arg30[%get3A_130] {strides = array<i32>} : memref<20016xf32, #tpu.memory_space<vmem>>, vector<16xf32>,
      %jit3A_132 = arith.constant 0xFF800000 : f32
      %broadcast_in_dim3A_133 = vector.broadcast %jit3A_132 : f32 to vector<16xf32>
      %select_n3A_134 = arith.select %eq3A_110, %get3A_131, %broadcast_in_dim3A_133 : vector<16xi1>, vector<16xf32>
      %reduce_max3A_135 = arith.constant true
      %reduce_max3A_136 = vector.broadcast %reduce_max3A_135 : i1 to vector<16xi1>
      %reduce_max3A_137 = tpu.scan <max>, %select_n3A_134 masked %reduce_max3A_136 : vector<16xf32>, vector<16xi1> -> vector<16xf32>
      %reduce_max3A_138 = vector.extract %reduce_max3A_137[15] : f32 from vector<16xf32>
      %get3A_139 = arith.index_cast %mul3A_107 : i32 to index
      %get3A_140 = tpu.vector_load %arg31[%get3A_139] {strides = array<i32>} : memref<20016xf32, #tpu.memory_space<vmem>>, vector<16xf32>,
      %jit3A_141 = arith.constant 0xFF800000 : f32
      %broadcast_in_dim3A_142 = vector.broadcast %jit3A_141 : f32 to vector<16xf32>
      %select_n3A_143 = arith.select %eq3A_110, %get3A_140, %broadcast_in_dim3A_142 : vector<16xi1>, vector<16xf32>
      %reduce_max3A_144 = arith.constant true
      %reduce_max3A_145 = vector.broadcast %reduce_max3A_144 : i1 to vector<16xi1>
      %reduce_max3A_146 = tpu.scan <max>, %select_n3A_143 masked %reduce_max3A_145 : vector<16xf32>, vector<16xi1> -> vector<16xf32>
      %reduce_max3A_147 = vector.extract %reduce_max3A_146[15] : f32 from vector<16xf32>
      %while3A_148 = arith.constant 2147483647 : i32
      %while3A_149 = arith.constant 0 : i32
      %while3A_150:8 = scf.while (%while3A_165 = %while3A_149, %while3A_166 = %scan3A_19#0, %while3A_167 = %select_n3A_112, %while3A_168 = %reduce_max3A_120, %while3A_169 = %reduce_max3A_129, %while3A_170 = %reduce_max3A_138, %while3A_171 = %reduce_max3A_147, %while3A_172 = %select_n3A_81) : (i32, i32, f32, f32, f32, f32, f32, i32) -> (i32, i32, f32, f32, f32, f32, f32, i32) {
        %gt3A_173 = arith.constant 0xFF800000 : f32
        %gt3A_174 = arith.cmpf ogt, %while3A_167, %gt3A_173 : f32
        %lt3A_175 = arith.constant 750 : i32
        %lt3A_176 = arith.cmpi slt, %while3A_165, %lt3A_175 : i32
        %and3A_177 = arith.andi %gt3A_174, %lt3A_176 : i1
        scf.condition(%and3A_177) %while3A_165, %while3A_166, %while3A_167, %while3A_168, %while3A_169, %while3A_170, %while3A_171, %while3A_172 : i32, i32, f32, f32, f32, f32, f32, i32
      } do {
      ^bb0(%while3A_165: i32, %while3A_166: i32, %while3A_167: f32, %while3A_168: f32, %while3A_169: f32, %while3A_170: f32, %while3A_171: f32, %while3A_172: i32):
        %eq3A_173 = arith.constant 0 : i32
        %eq3A_174 = vector.broadcast %eq3A_173 : i32 to vector<16xi32>
        %eq3A_175 = arith.cmpi eq, %iota3A, %eq3A_174 : vector<16xi32>
        %broadcast_in_dim3A_176 = vector.broadcast %while3A_165 : i32 to vector<16xi32>
        %sub3A_177 = arith.subf %while3A_168, %add3A_26 : f32
        %broadcast_in_dim3A_178 = vector.broadcast %sub3A_177 : f32 to vector<16xf32>
        tpu.vector_store_idx %arg33[%broadcast_in_dim3A_176], %broadcast_in_dim3A_178 masked %eq3A_175 : memref<768xf32, #tpu.memory_space<vmem>>[vector<16xi32>], vector<16xf32>, vector<16xi1>
        %sub3A_179 = arith.subf %while3A_169, %add3A_26 : f32
        %broadcast_in_dim3A_180 = vector.broadcast %sub3A_179 : f32 to vector<16xf32>
        tpu.vector_store_idx %arg34[%broadcast_in_dim3A_176], %broadcast_in_dim3A_180 masked %eq3A_175 : memref<768xf32, #tpu.memory_space<vmem>>[vector<16xi32>], vector<16xf32>, vector<16xi1>
        %sub3A_181 = arith.subf %while3A_170, %add3A_26 : f32
        %broadcast_in_dim3A_182 = vector.broadcast %sub3A_181 : f32 to vector<16xf32>
        tpu.vector_store_idx %arg35[%broadcast_in_dim3A_176], %broadcast_in_dim3A_182 masked %eq3A_175 : memref<768xf32, #tpu.memory_space<vmem>>[vector<16xi32>], vector<16xf32>, vector<16xi1>
        %sub3A_183 = arith.subf %while3A_171, %add3A_26 : f32
        %broadcast_in_dim3A_184 = vector.broadcast %sub3A_183 : f32 to vector<16xf32>
        tpu.vector_store_idx %arg36[%broadcast_in_dim3A_176], %broadcast_in_dim3A_184 masked %eq3A_175 : memref<768xf32, #tpu.memory_space<vmem>>[vector<16xi32>], vector<16xf32>, vector<16xi1>
        %broadcast_in_dim3A_185 = vector.broadcast %while3A_167 : f32 to vector<16xf32>
        tpu.vector_store_idx %arg37[%broadcast_in_dim3A_176], %broadcast_in_dim3A_185 masked %eq3A_175 : memref<768xf32, #tpu.memory_space<vmem>>[vector<16xi32>], vector<16xf32>, vector<16xi1>
        %broadcast_in_dim3A_186 = vector.broadcast %while3A_172 : i32 to vector<16xi32>
        %broadcast_in_dim3A_187 = arith.constant 0xFF800000 : f32
        %broadcast_in_dim3A_188 = vector.broadcast %broadcast_in_dim3A_187 : f32 to vector<16xf32>
        tpu.vector_store_idx %arg32[%broadcast_in_dim3A_186], %broadcast_in_dim3A_188 masked %eq3A_175 : memref<20016xf32, #tpu.memory_space<vmem>>[vector<16xi32>], vector<16xf32>, vector<16xi1>
        %add3A_189 = arith.constant 1 : i32
        %add3A_190 = arith.addi %while3A_165, %add3A_189 : i32
        %sub3A_191 = arith.subf %while3A_170, %while3A_168 : f32
        %sub3A_192 = arith.subf %while3A_171, %while3A_169 : f32
        %mul3A_193 = arith.mulf %sub3A_191, %sub3A_192 : f32
        %ge3A = arith.constant 2 : i32
        %ge3A_194 = arith.cmpi sge, %add3A_190, %ge3A : i32
        %le3A = arith.constant 4 : i32
        %le3A_195 = arith.cmpi sle, %add3A_190, %le3A : i32
        %and3A_196 = arith.andi %ge3A_194, %le3A_195 : i1
        %rem3A_197 = arith.constant 8 : i32
        %rem3A_198 = arith.remsi %add3A_190, %rem3A_197 : i32
        %eq3A_199 = arith.constant 0 : i32
        %eq3A_200 = arith.cmpi eq, %rem3A_198, %eq3A_199 : i32
        %or3A = arith.ori %and3A_196, %eq3A_200 : i1
        %jit3A_201 = arith.constant 0 : i32
        %select_n3A_202 = arith.select %or3A, %while3A_166, %jit3A_201 : i32
        %add3A_203 = arith.constant 15 : i32
        %add3A_204 = arith.addi %select_n3A_202, %add3A_203 : i32
        %jit3A_205 = arith.constant 16 : i32
        %div3A_206 = arith.divsi %add3A_204, %jit3A_205 : i32
        %sign3A_207 = arith.constant 0 : i32
        %sign3A_208 = arith.cmpi sgt, %add3A_204, %sign3A_207 : i32
        %sign3A_209 = arith.extui %sign3A_208 : i1 to i32
        %sign3A_210 = arith.constant 0 : i32
        %sign3A_211 = arith.cmpi slt, %add3A_204, %sign3A_210 : i32
        %sign3A_212 = arith.extui %sign3A_211 : i1 to i32
        %sign3A_213 = arith.subi %sign3A_209, %sign3A_212 : i32
        %sign3A_214 = arith.constant 0 : i32
        %sign3A_215 = arith.cmpi sgt, %jit3A_205, %sign3A_214 : i32
        %sign3A_216 = arith.extui %sign3A_215 : i1 to i32
        %sign3A_217 = arith.constant 0 : i32
        %sign3A_218 = arith.cmpi slt, %jit3A_205, %sign3A_217 : i32
        %sign3A_219 = arith.extui %sign3A_218 : i1 to i32
        %sign3A_220 = arith.subi %sign3A_216, %sign3A_219 : i32
        %ne3A_221 = arith.cmpi ne, %sign3A_213, %sign3A_220 : i32
        %rem3A_222 = arith.remsi %add3A_204, %jit3A_205 : i32
        %ne3A_223 = arith.constant 0 : i32
        %ne3A_224 = arith.cmpi ne, %rem3A_222, %ne3A_223 : i32
        %and3A_225 = arith.andi %ne3A_221, %ne3A_224 : i1
        %sub3A_226 = arith.constant 1 : i32
        %sub3A_227 = arith.subi %div3A_206, %sub3A_226 : i32
        %select_n3A_228 = arith.select %and3A_225, %sub3A_227, %div3A_206 : i32
        %while3A_229 = arith.constant 0 : i32
        %while3A_230 = arith.constant 0 : i32
        %while3A_231 = arith.subi %select_n3A_228, %while3A_229 : i32
        %while3A_232 = arith.addi %while3A_229, %while3A_231 : i32
        %while3A_233 = arith.constant 1 : i32
        %while3A_234 = arith.divsi %while3A_231, %while3A_233 : i32
        %while3A_235 = arith.muli %while3A_234, %while3A_233 : i32
        %while3A_236 = arith.addi %while3A_229, %while3A_235 : i32
        %while3A_237 = arith.constant 1 : i32
        %while3A_238 = scf.for %while3A_370 = %while3A_229 to %while3A_236 step %while3A_237 iter_args(%while3A_371 = %while3A_230) -> (i32)  : i32 {
          %mul3A_372 = arith.constant 16 : i32
          %mul3A_373 = arith.muli %while3A_370, %mul3A_372 : i32
          %get3A_374 = arith.index_cast %mul3A_373 : i32 to index
          %get3A_375 = tpu.vector_load %arg28[%get3A_374] {strides = array<i32>} : memref<20016xf32, #tpu.memory_space<vmem>>, vector<16xf32>,
          %get3A_376 = arith.index_cast %mul3A_373 : i32 to index
          %get3A_377 = tpu.vector_load %arg29[%get3A_376] {strides = array<i32>} : memref<20016xf32, #tpu.memory_space<vmem>>, vector<16xf32>,
          %get3A_378 = arith.index_cast %mul3A_373 : i32 to index
          %get3A_379 = tpu.vector_load %arg30[%get3A_378] {strides = array<i32>} : memref<20016xf32, #tpu.memory_space<vmem>>, vector<16xf32>,
          %get3A_380 = arith.index_cast %mul3A_373 : i32 to index
          %get3A_381 = tpu.vector_load %arg31[%get3A_380] {strides = array<i32>} : memref<20016xf32, #tpu.memory_space<vmem>>, vector<16xf32>,
          %get3A_382 = arith.index_cast %mul3A_373 : i32 to index
          %get3A_383 = tpu.vector_load %arg32[%get3A_382] {strides = array<i32>} : memref<20016xf32, #tpu.memory_space<vmem>>, vector<16xf32>,
          %gt3A_384 = arith.constant 0xFF800000 : f32
          %gt3A_385 = vector.broadcast %gt3A_384 : f32 to vector<16xf32>
          %gt3A_386 = arith.cmpf ogt, %get3A_383, %gt3A_385 : vector<16xf32>
          %add3A_387 = vector.broadcast %mul3A_373 : i32 to vector<16xi32>
          %add3A_388 = arith.addi %add3A_387, %iota3A : vector<16xi32>
          %lt3A_389 = vector.broadcast %select_n3A_202 : i32 to vector<16xi32>
          %lt3A_390 = arith.cmpi slt, %add3A_388, %lt3A_389 : vector<16xi32>
          %and3A_391 = arith.andi %gt3A_386, %lt3A_390 : vector<16xi1>
          %swap3A_392 = arith.index_cast %while3A_371 : i32 to index
          %swap3A_393 = tpu.vector_load %arg28[%swap3A_392] masked %and3A_391 {strides = array<i32>} : memref<20016xf32, #tpu.memory_space<vmem>>, vector<16xf32>, vector<16xi1>
          tpu.vector_store %arg28[%swap3A_392], %get3A_375 masked %and3A_391 {strides = array<i32>} : memref<20016xf32, #tpu.memory_space<vmem>>, vector<16xf32>, vector<16xi1>
          %swap3A_394 = arith.index_cast %while3A_371 : i32 to index
          %swap3A_395 = tpu.vector_load %arg29[%swap3A_394] masked %and3A_391 {strides = array<i32>} : memref<20016xf32, #tpu.memory_space<vmem>>, vector<16xf32>, vector<16xi1>
          tpu.vector_store %arg29[%swap3A_394], %get3A_377 masked %and3A_391 {strides = array<i32>} : memref<20016xf32, #tpu.memory_space<vmem>>, vector<16xf32>, vector<16xi1>
          %swap3A_396 = arith.index_cast %while3A_371 : i32 to index
          %swap3A_397 = tpu.vector_load %arg30[%swap3A_396] masked %and3A_391 {strides = array<i32>} : memref<20016xf32, #tpu.memory_space<vmem>>, vector<16xf32>, vector<16xi1>
          tpu.vector_store %arg30[%swap3A_396], %get3A_379 masked %and3A_391 {strides = array<i32>} : memref<20016xf32, #tpu.memory_space<vmem>>, vector<16xf32>, vector<16xi1>
          %swap3A_398 = arith.index_cast %while3A_371 : i32 to index
          %swap3A_399 = tpu.vector_load %arg31[%swap3A_398] masked %and3A_391 {strides = array<i32>} : memref<20016xf32, #tpu.memory_space<vmem>>, vector<16xf32>, vector<16xi1>
          tpu.vector_store %arg31[%swap3A_398], %get3A_381 masked %and3A_391 {strides = array<i32>} : memref<20016xf32, #tpu.memory_space<vmem>>, vector<16xf32>, vector<16xi1>
          %swap3A_400 = arith.index_cast %while3A_371 : i32 to index
          %swap3A_401 = tpu.vector_load %arg32[%swap3A_400] masked %and3A_391 {strides = array<i32>} : memref<20016xf32, #tpu.memory_space<vmem>>, vector<16xf32>, vector<16xi1>
          tpu.vector_store %arg32[%swap3A_400], %get3A_383 masked %and3A_391 {strides = array<i32>} : memref<20016xf32, #tpu.memory_space<vmem>>, vector<16xf32>, vector<16xi1>
          %convert_element_type3A_402 = arith.extui %and3A_391 : vector<16xi1> to vector<16xi32>
          %reduce_sum3A = arith.constant true
          %reduce_sum3A_403 = vector.broadcast %reduce_sum3A : i1 to vector<16xi1>
          %reduce_sum3A_404 = tpu.scan <sum>, %convert_element_type3A_402 masked %reduce_sum3A_403 : vector<16xi32>, vector<16xi1> -> vector<16xi32>
          %reduce_sum3A_405 = vector.extract %reduce_sum3A_404[15] : i32 from vector<16xi32>
          %add3A_406 = arith.addi %while3A_371, %reduce_sum3A_405 : i32
          scf.yield %add3A_406 : i32
        }
        %while3A_239 = arith.constant 1 : i32
        %while3A_240 = scf.for %while3A_370 = %while3A_236 to %while3A_232 step %while3A_239 iter_args(%while3A_371 = %while3A_238) -> (i32)  : i32 {
          %mul3A_372 = arith.constant 16 : i32
          %mul3A_373 = arith.muli %while3A_370, %mul3A_372 : i32
          %get3A_374 = arith.index_cast %mul3A_373 : i32 to index
          %get3A_375 = tpu.vector_load %arg28[%get3A_374] {strides = array<i32>} : memref<20016xf32, #tpu.memory_space<vmem>>, vector<16xf32>,
          %get3A_376 = arith.index_cast %mul3A_373 : i32 to index
          %get3A_377 = tpu.vector_load %arg29[%get3A_376] {strides = array<i32>} : memref<20016xf32, #tpu.memory_space<vmem>>, vector<16xf32>,
          %get3A_378 = arith.index_cast %mul3A_373 : i32 to index
          %get3A_379 = tpu.vector_load %arg30[%get3A_378] {strides = array<i32>} : memref<20016xf32, #tpu.memory_space<vmem>>, vector<16xf32>,
          %get3A_380 = arith.index_cast %mul3A_373 : i32 to index
          %get3A_381 = tpu.vector_load %arg31[%get3A_380] {strides = array<i32>} : memref<20016xf32, #tpu.memory_space<vmem>>, vector<16xf32>,
          %get3A_382 = arith.index_cast %mul3A_373 : i32 to index
          %get3A_383 = tpu.vector_load %arg32[%get3A_382] {strides = array<i32>} : memref<20016xf32, #tpu.memory_space<vmem>>, vector<16xf32>,
          %gt3A_384 = arith.constant 0xFF800000 : f32
          %gt3A_385 = vector.broadcast %gt3A_384 : f32 to vector<16xf32>
          %gt3A_386 = arith.cmpf ogt, %get3A_383, %gt3A_385 : vector<16xf32>
          %add3A_387 = vector.broadcast %mul3A_373 : i32 to vector<16xi32>
          %add3A_388 = arith.addi %add3A_387, %iota3A : vector<16xi32>
          %lt3A_389 = vector.broadcast %select_n3A_202 : i32 to vector<16xi32>
          %lt3A_390 = arith.cmpi slt, %add3A_388, %lt3A_389 : vector<16xi32>
          %and3A_391 = arith.andi %gt3A_386, %lt3A_390 : vector<16xi1>
          %swap3A_392 = arith.index_cast %while3A_371 : i32 to index
          %swap3A_393 = tpu.vector_load %arg28[%swap3A_392] masked %and3A_391 {strides = array<i32>} : memref<20016xf32, #tpu.memory_space<vmem>>, vector<16xf32>, vector<16xi1>
          tpu.vector_store %arg28[%swap3A_392], %get3A_375 masked %and3A_391 {strides = array<i32>} : memref<20016xf32, #tpu.memory_space<vmem>>, vector<16xf32>, vector<16xi1>
          %swap3A_394 = arith.index_cast %while3A_371 : i32 to index
          %swap3A_395 = tpu.vector_load %arg29[%swap3A_394] masked %and3A_391 {strides = array<i32>} : memref<20016xf32, #tpu.memory_space<vmem>>, vector<16xf32>, vector<16xi1>
          tpu.vector_store %arg29[%swap3A_394], %get3A_377 masked %and3A_391 {strides = array<i32>} : memref<20016xf32, #tpu.memory_space<vmem>>, vector<16xf32>, vector<16xi1>
          %swap3A_396 = arith.index_cast %while3A_371 : i32 to index
          %swap3A_397 = tpu.vector_load %arg30[%swap3A_396] masked %and3A_391 {strides = array<i32>} : memref<20016xf32, #tpu.memory_space<vmem>>, vector<16xf32>, vector<16xi1>
          tpu.vector_store %arg30[%swap3A_396], %get3A_379 masked %and3A_391 {strides = array<i32>} : memref<20016xf32, #tpu.memory_space<vmem>>, vector<16xf32>, vector<16xi1>
          %swap3A_398 = arith.index_cast %while3A_371 : i32 to index
          %swap3A_399 = tpu.vector_load %arg31[%swap3A_398] masked %and3A_391 {strides = array<i32>} : memref<20016xf32, #tpu.memory_space<vmem>>, vector<16xf32>, vector<16xi1>
          tpu.vector_store %arg31[%swap3A_398], %get3A_381 masked %and3A_391 {strides = array<i32>} : memref<20016xf32, #tpu.memory_space<vmem>>, vector<16xf32>, vector<16xi1>
          %swap3A_400 = arith.index_cast %while3A_371 : i32 to index
          %swap3A_401 = tpu.vector_load %arg32[%swap3A_400] masked %and3A_391 {strides = array<i32>} : memref<20016xf32, #tpu.memory_space<vmem>>, vector<16xf32>, vector<16xi1>
          tpu.vector_store %arg32[%swap3A_400], %get3A_383 masked %and3A_391 {strides = array<i32>} : memref<20016xf32, #tpu.memory_space<vmem>>, vector<16xf32>, vector<16xi1>
          %convert_element_type3A_402 = arith.extui %and3A_391 : vector<16xi1> to vector<16xi32>
          %reduce_sum3A = arith.constant true
          %reduce_sum3A_403 = vector.broadcast %reduce_sum3A : i1 to vector<16xi1>
          %reduce_sum3A_404 = tpu.scan <sum>, %convert_element_type3A_402 masked %reduce_sum3A_403 : vector<16xi32>, vector<16xi1> -> vector<16xi32>
          %reduce_sum3A_405 = vector.extract %reduce_sum3A_404[15] : i32 from vector<16xi32>
          %add3A_406 = arith.addi %while3A_371, %reduce_sum3A_405 : i32
          scf.yield %add3A_406 : i32
        }
        %select_n3A_241 = arith.select %or3A, %while3A_240, %while3A_166 : i32
        %add3A_242 = arith.constant 15 : i32
        %add3A_243 = arith.addi %select_n3A_241, %add3A_242 : i32
        %jit3A_244 = arith.constant 16 : i32
        %div3A_245 = arith.divsi %add3A_243, %jit3A_244 : i32
        %sign3A_246 = arith.constant 0 : i32
        %sign3A_247 = arith.cmpi sgt, %add3A_243, %sign3A_246 : i32
        %sign3A_248 = arith.extui %sign3A_247 : i1 to i32
        %sign3A_249 = arith.constant 0 : i32
        %sign3A_250 = arith.cmpi slt, %add3A_243, %sign3A_249 : i32
        %sign3A_251 = arith.extui %sign3A_250 : i1 to i32
        %sign3A_252 = arith.subi %sign3A_248, %sign3A_251 : i32
        %sign3A_253 = arith.constant 0 : i32
        %sign3A_254 = arith.cmpi sgt, %jit3A_244, %sign3A_253 : i32
        %sign3A_255 = arith.extui %sign3A_254 : i1 to i32
        %sign3A_256 = arith.constant 0 : i32
        %sign3A_257 = arith.cmpi slt, %jit3A_244, %sign3A_256 : i32
        %sign3A_258 = arith.extui %sign3A_257 : i1 to i32
        %sign3A_259 = arith.subi %sign3A_255, %sign3A_258 : i32
        %ne3A_260 = arith.cmpi ne, %sign3A_252, %sign3A_259 : i32
        %rem3A_261 = arith.remsi %add3A_243, %jit3A_244 : i32
        %ne3A_262 = arith.constant 0 : i32
        %ne3A_263 = arith.cmpi ne, %rem3A_261, %ne3A_262 : i32
        %and3A_264 = arith.andi %ne3A_260, %ne3A_263 : i1
        %sub3A_265 = arith.constant 1 : i32
        %sub3A_266 = arith.subi %div3A_245, %sub3A_265 : i32
        %select_n3A_267 = arith.select %and3A_264, %sub3A_266, %div3A_245 : i32
        %broadcast_in_dim3A_268 = arith.constant 0xFF800000 : f32
        %broadcast_in_dim3A_269 = vector.broadcast %broadcast_in_dim3A_268 : f32 to vector<16xf32>
        %broadcast_in_dim3A_270 = arith.constant 0 : i32
        %broadcast_in_dim3A_271 = vector.broadcast %broadcast_in_dim3A_270 : i32 to vector<16xi32>
        %while3A_272 = arith.constant 0 : i32
        %while3A_273 = arith.subi %select_n3A_267, %while3A_272 : i32
        %while3A_274 = arith.addi %while3A_272, %while3A_273 : i32
        %while3A_275 = arith.constant 1 : i32
        %while3A_276 = arith.divsi %while3A_273, %while3A_275 : i32
        %while3A_277 = arith.muli %while3A_276, %while3A_275 : i32
        %while3A_278 = arith.addi %while3A_272, %while3A_277 : i32
        %while3A_279 = arith.constant 1 : i32
        %while3A_280:2 = scf.for %while3A_370 = %while3A_272 to %while3A_278 step %while3A_279 iter_args(%while3A_371 = %broadcast_in_dim3A_269, %while3A_372 = %broadcast_in_dim3A_271) -> (vector<16xf32>, vector<16xi32>)  : i32 {
          %mul3A_373 = arith.constant 16 : i32
          %mul3A_374 = arith.muli %while3A_370, %mul3A_373 : i32
          %get3A_375 = arith.index_cast %mul3A_374 : i32 to index
          %get3A_376 = tpu.vector_load %arg28[%get3A_375] {strides = array<i32>} : memref<20016xf32, #tpu.memory_space<vmem>>, vector<16xf32>,
          %get3A_377 = arith.index_cast %mul3A_374 : i32 to index
          %get3A_378 = tpu.vector_load %arg29[%get3A_377] {strides = array<i32>} : memref<20016xf32, #tpu.memory_space<vmem>>, vector<16xf32>,
          %get3A_379 = arith.index_cast %mul3A_374 : i32 to index
          %get3A_380 = tpu.vector_load %arg30[%get3A_379] {strides = array<i32>} : memref<20016xf32, #tpu.memory_space<vmem>>, vector<16xf32>,
          %get3A_381 = arith.index_cast %mul3A_374 : i32 to index
          %get3A_382 = tpu.vector_load %arg31[%get3A_381] {strides = array<i32>} : memref<20016xf32, #tpu.memory_space<vmem>>, vector<16xf32>,
          %get3A_383 = arith.index_cast %mul3A_374 : i32 to index
          %get3A_384 = tpu.vector_load %arg32[%get3A_383] {strides = array<i32>} : memref<20016xf32, #tpu.memory_space<vmem>>, vector<16xf32>,
          %add3A_385 = vector.broadcast %mul3A_374 : i32 to vector<16xi32>
          %add3A_386 = arith.addi %add3A_385, %iota3A : vector<16xi32>
          %lt3A_387 = vector.broadcast %select_n3A_241 : i32 to vector<16xi32>
          %lt3A_388 = arith.cmpi slt, %add3A_386, %lt3A_387 : vector<16xi32>
          %sub3A_389 = arith.subf %get3A_380, %get3A_376 : vector<16xf32>
          %sub3A_390 = arith.subf %get3A_382, %get3A_378 : vector<16xf32>
          %mul3A_391 = arith.mulf %sub3A_389, %sub3A_390 : vector<16xf32>
          %max3A = vector.broadcast %while3A_168 : f32 to vector<16xf32>
          %max3A_392 = arith.maximumf %max3A, %get3A_376 : vector<16xf32>
          %max3A_393 = vector.broadcast %while3A_169 : f32 to vector<16xf32>
          %max3A_394 = arith.maximumf %max3A_393, %get3A_378 : vector<16xf32>
          %min3A = vector.broadcast %while3A_170 : f32 to vector<16xf32>
          %min3A_395 = arith.minimumf %min3A, %get3A_380 : vector<16xf32>
          %min3A_396 = vector.broadcast %while3A_171 : f32 to vector<16xf32>
          %min3A_397 = arith.minimumf %min3A_396, %get3A_382 : vector<16xf32>
          %sub3A_398 = arith.subf %min3A_395, %max3A_392 : vector<16xf32>
          %max3A_399 = arith.constant 0.000000e+00 : f32
          %max3A_400 = vector.broadcast %max3A_399 : f32 to vector<16xf32>
          %max3A_401 = arith.maximumf %sub3A_398, %max3A_400 : vector<16xf32>
          %sub3A_402 = arith.subf %min3A_397, %max3A_394 : vector<16xf32>
          %max3A_403 = arith.constant 0.000000e+00 : f32
          %max3A_404 = vector.broadcast %max3A_403 : f32 to vector<16xf32>
          %max3A_405 = arith.maximumf %sub3A_402, %max3A_404 : vector<16xf32>
          %mul3A_406 = arith.mulf %max3A_401, %max3A_405 : vector<16xf32>
          %add3A_407 = vector.broadcast %mul3A_193 : f32 to vector<16xf32>
          %add3A_408 = arith.addf %add3A_407, %mul3A_391 : vector<16xf32>
          %sub3A_409 = arith.subf %add3A_408, %mul3A_406 : vector<16xf32>
          %div3A_410 = arith.divf %mul3A_406, %sub3A_409 : vector<16xf32>
          %gt3A_411 = arith.constant 0.00999999977 : f32
          %gt3A_412 = vector.broadcast %gt3A_411 : f32 to vector<16xf32>
          %gt3A_413 = arith.cmpf ogt, %div3A_410, %gt3A_412 : vector<16xf32>
          %jit3A_414 = arith.constant 0xFF800000 : f32
          %broadcast_in_dim3A_415 = vector.broadcast %jit3A_414 : f32 to vector<16xf32>
          %select_n3A_416 = arith.select %gt3A_413, %broadcast_in_dim3A_415, %get3A_384 : vector<16xi1>, vector<16xf32>
          %swap3A_417 = arith.index_cast %mul3A_374 : i32 to index
          %swap3A_418 = tpu.vector_load %arg32[%swap3A_417] {strides = array<i32>} : memref<20016xf32, #tpu.memory_space<vmem>>, vector<16xf32>,
          tpu.vector_store %arg32[%swap3A_417], %select_n3A_416 {strides = array<i32>} : memref<20016xf32, #tpu.memory_space<vmem>>, vector<16xf32>,
          %jit3A_419 = arith.constant 0xFF800000 : f32
          %broadcast_in_dim3A_420 = vector.broadcast %jit3A_419 : f32 to vector<16xf32>
          %select_n3A_421 = arith.select %lt3A_388, %select_n3A_416, %broadcast_in_dim3A_420 : vector<16xi1>, vector<16xf32>
          %gt3A_422 = arith.cmpf ogt, %select_n3A_421, %while3A_371 : vector<16xf32>
          %add3A_423 = vector.broadcast %mul3A_374 : i32 to vector<16xi32>
          %add3A_424 = arith.addi %add3A_423, %iota3A : vector<16xi32>
          %select_n3A_425 = arith.select %gt3A_422, %add3A_424, %while3A_372 : vector<16xi1>, vector<16xi32>
          %max3A_426 = arith.maximumf %while3A_371, %select_n3A_421 : vector<16xf32>
          scf.yield %max3A_426, %select_n3A_425 : vector<16xf32>, vector<16xi32>
        }
        %while3A_281 = arith.constant 1 : i32
        %while3A_282:2 = scf.for %while3A_370 = %while3A_278 to %while3A_274 step %while3A_281 iter_args(%while3A_371 = %while3A_280#0, %while3A_372 = %while3A_280#1) -> (vector<16xf32>, vector<16xi32>)  : i32 {
          %mul3A_373 = arith.constant 16 : i32
          %mul3A_374 = arith.muli %while3A_370, %mul3A_373 : i32
          %get3A_375 = arith.index_cast %mul3A_374 : i32 to index
          %get3A_376 = tpu.vector_load %arg28[%get3A_375] {strides = array<i32>} : memref<20016xf32, #tpu.memory_space<vmem>>, vector<16xf32>,
          %get3A_377 = arith.index_cast %mul3A_374 : i32 to index
          %get3A_378 = tpu.vector_load %arg29[%get3A_377] {strides = array<i32>} : memref<20016xf32, #tpu.memory_space<vmem>>, vector<16xf32>,
          %get3A_379 = arith.index_cast %mul3A_374 : i32 to index
          %get3A_380 = tpu.vector_load %arg30[%get3A_379] {strides = array<i32>} : memref<20016xf32, #tpu.memory_space<vmem>>, vector<16xf32>,
          %get3A_381 = arith.index_cast %mul3A_374 : i32 to index
          %get3A_382 = tpu.vector_load %arg31[%get3A_381] {strides = array<i32>} : memref<20016xf32, #tpu.memory_space<vmem>>, vector<16xf32>,
          %get3A_383 = arith.index_cast %mul3A_374 : i32 to index
          %get3A_384 = tpu.vector_load %arg32[%get3A_383] {strides = array<i32>} : memref<20016xf32, #tpu.memory_space<vmem>>, vector<16xf32>,
          %add3A_385 = vector.broadcast %mul3A_374 : i32 to vector<16xi32>
          %add3A_386 = arith.addi %add3A_385, %iota3A : vector<16xi32>
          %lt3A_387 = vector.broadcast %select_n3A_241 : i32 to vector<16xi32>
          %lt3A_388 = arith.cmpi slt, %add3A_386, %lt3A_387 : vector<16xi32>
          %sub3A_389 = arith.subf %get3A_380, %get3A_376 : vector<16xf32>
          %sub3A_390 = arith.subf %get3A_382, %get3A_378 : vector<16xf32>
          %mul3A_391 = arith.mulf %sub3A_389, %sub3A_390 : vector<16xf32>
          %max3A = vector.broadcast %while3A_168 : f32 to vector<16xf32>
          %max3A_392 = arith.maximumf %max3A, %get3A_376 : vector<16xf32>
          %max3A_393 = vector.broadcast %while3A_169 : f32 to vector<16xf32>
          %max3A_394 = arith.maximumf %max3A_393, %get3A_378 : vector<16xf32>
          %min3A = vector.broadcast %while3A_170 : f32 to vector<16xf32>
          %min3A_395 = arith.minimumf %min3A, %get3A_380 : vector<16xf32>
          %min3A_396 = vector.broadcast %while3A_171 : f32 to vector<16xf32>
          %min3A_397 = arith.minimumf %min3A_396, %get3A_382 : vector<16xf32>
          %sub3A_398 = arith.subf %min3A_395, %max3A_392 : vector<16xf32>
          %max3A_399 = arith.constant 0.000000e+00 : f32
          %max3A_400 = vector.broadcast %max3A_399 : f32 to vector<16xf32>
          %max3A_401 = arith.maximumf %sub3A_398, %max3A_400 : vector<16xf32>
          %sub3A_402 = arith.subf %min3A_397, %max3A_394 : vector<16xf32>
          %max3A_403 = arith.constant 0.000000e+00 : f32
          %max3A_404 = vector.broadcast %max3A_403 : f32 to vector<16xf32>
          %max3A_405 = arith.maximumf %sub3A_402, %max3A_404 : vector<16xf32>
          %mul3A_406 = arith.mulf %max3A_401, %max3A_405 : vector<16xf32>
          %add3A_407 = vector.broadcast %mul3A_193 : f32 to vector<16xf32>
          %add3A_408 = arith.addf %add3A_407, %mul3A_391 : vector<16xf32>
          %sub3A_409 = arith.subf %add3A_408, %mul3A_406 : vector<16xf32>
          %div3A_410 = arith.divf %mul3A_406, %sub3A_409 : vector<16xf32>
          %gt3A_411 = arith.constant 0.00999999977 : f32
          %gt3A_412 = vector.broadcast %gt3A_411 : f32 to vector<16xf32>
          %gt3A_413 = arith.cmpf ogt, %div3A_410, %gt3A_412 : vector<16xf32>
          %jit3A_414 = arith.constant 0xFF800000 : f32
          %broadcast_in_dim3A_415 = vector.broadcast %jit3A_414 : f32 to vector<16xf32>
          %select_n3A_416 = arith.select %gt3A_413, %broadcast_in_dim3A_415, %get3A_384 : vector<16xi1>, vector<16xf32>
          %swap3A_417 = arith.index_cast %mul3A_374 : i32 to index
          %swap3A_418 = tpu.vector_load %arg32[%swap3A_417] {strides = array<i32>} : memref<20016xf32, #tpu.memory_space<vmem>>, vector<16xf32>,
          tpu.vector_store %arg32[%swap3A_417], %select_n3A_416 {strides = array<i32>} : memref<20016xf32, #tpu.memory_space<vmem>>, vector<16xf32>,
          %jit3A_419 = arith.constant 0xFF800000 : f32
          %broadcast_in_dim3A_420 = vector.broadcast %jit3A_419 : f32 to vector<16xf32>
          %select_n3A_421 = arith.select %lt3A_388, %select_n3A_416, %broadcast_in_dim3A_420 : vector<16xi1>, vector<16xf32>
          %gt3A_422 = arith.cmpf ogt, %select_n3A_421, %while3A_371 : vector<16xf32>
          %add3A_423 = vector.broadcast %mul3A_374 : i32 to vector<16xi32>
          %add3A_424 = arith.addi %add3A_423, %iota3A : vector<16xi32>
          %select_n3A_425 = arith.select %gt3A_422, %add3A_424, %while3A_372 : vector<16xi1>, vector<16xi32>
          %max3A_426 = arith.maximumf %while3A_371, %select_n3A_421 : vector<16xf32>
          scf.yield %max3A_426, %select_n3A_425 : vector<16xf32>, vector<16xi32>
        }
        %reduce_max3A_283 = arith.constant true
        %reduce_max3A_284 = vector.broadcast %reduce_max3A_283 : i1 to vector<16xi1>
        %reduce_max3A_285 = tpu.scan <max>, %while3A_282#0 masked %reduce_max3A_284 : vector<16xf32>, vector<16xi1> -> vector<16xf32>
        %reduce_max3A_286 = vector.extract %reduce_max3A_285[15] : f32 from vector<16xf32>
        %gt3A_287 = arith.constant 0xFF800000 : f32
        %gt3A_288 = arith.cmpf ogt, %reduce_max3A_286, %gt3A_287 : f32
        %eq3A_289 = vector.broadcast %reduce_max3A_286 : f32 to vector<16xf32>
        %eq3A_290 = arith.cmpf oeq, %while3A_282#0, %eq3A_289 : vector<16xf32>
        %broadcast_in_dim3A_291 = vector.broadcast %while3A_148 : i32 to vector<16xi32>
        %select_n3A_292 = arith.select %eq3A_290, %while3A_282#1, %broadcast_in_dim3A_291 : vector<16xi1>, vector<16xi32>
        %reduce_min3A_293 = arith.constant true
        %reduce_min3A_294 = vector.broadcast %reduce_min3A_293 : i1 to vector<16xi1>
        %reduce_min3A_295 = arith.constant -2147483648 : i32
        %reduce_min3A_296 = vector.broadcast %reduce_min3A_295 : i32 to vector<16xi32>
        %reduce_min3A_297 = arith.xori %select_n3A_292, %reduce_min3A_296 : vector<16xi32>
        %reduce_min3A_298 = tpu.scan <min>, %reduce_min3A_297 masked %reduce_min3A_294 : vector<16xi32>, vector<16xi1> -> vector<16xi32>
        %reduce_min3A_299 = arith.xori %reduce_min3A_298, %reduce_min3A_296 : vector<16xi32>
        %reduce_min3A_300 = vector.extract %reduce_min3A_299[15] : i32 from vector<16xi32>
        %jit3A_301 = arith.constant 0 : i32
        %select_n3A_302 = arith.select %gt3A_288, %reduce_min3A_300, %jit3A_301 : i32
        %jit3A_303 = arith.constant 16 : i32
        %div3A_304 = arith.divsi %select_n3A_302, %jit3A_303 : i32
        %sign3A_305 = arith.constant 0 : i32
        %sign3A_306 = arith.cmpi sgt, %select_n3A_302, %sign3A_305 : i32
        %sign3A_307 = arith.extui %sign3A_306 : i1 to i32
        %sign3A_308 = arith.constant 0 : i32
        %sign3A_309 = arith.cmpi slt, %select_n3A_302, %sign3A_308 : i32
        %sign3A_310 = arith.extui %sign3A_309 : i1 to i32
        %sign3A_311 = arith.subi %sign3A_307, %sign3A_310 : i32
        %sign3A_312 = arith.constant 0 : i32
        %sign3A_313 = arith.cmpi sgt, %jit3A_303, %sign3A_312 : i32
        %sign3A_314 = arith.extui %sign3A_313 : i1 to i32
        %sign3A_315 = arith.constant 0 : i32
        %sign3A_316 = arith.cmpi slt, %jit3A_303, %sign3A_315 : i32
        %sign3A_317 = arith.extui %sign3A_316 : i1 to i32
        %sign3A_318 = arith.subi %sign3A_314, %sign3A_317 : i32
        %ne3A_319 = arith.cmpi ne, %sign3A_311, %sign3A_318 : i32
        %rem3A_320 = arith.remsi %select_n3A_302, %jit3A_303 : i32
        %ne3A_321 = arith.constant 0 : i32
        %ne3A_322 = arith.cmpi ne, %rem3A_320, %ne3A_321 : i32
        %and3A_323 = arith.andi %ne3A_319, %ne3A_322 : i1
        %sub3A_324 = arith.constant 1 : i32
        %sub3A_325 = arith.subi %div3A_304, %sub3A_324 : i32
        %select_n3A_326 = arith.select %and3A_323, %sub3A_325, %div3A_304 : i32
        %mul3A_327 = arith.constant 16 : i32
        %mul3A_328 = arith.muli %select_n3A_326, %mul3A_327 : i32
        %sub3A_329 = arith.subi %select_n3A_302, %mul3A_328 : i32
        %eq3A_330 = vector.broadcast %sub3A_329 : i32 to vector<16xi32>
        %eq3A_331 = arith.cmpi eq, %iota3A, %eq3A_330 : vector<16xi32>
        %jit3A_332 = arith.constant 0xFF800000 : f32
        %select_n3A_333 = arith.select %gt3A_288, %reduce_max3A_286, %jit3A_332 : f32
        %get3A_334 = arith.index_cast %mul3A_328 : i32 to index
        %get3A_335 = tpu.vector_load %arg28[%get3A_334] {strides = array<i32>} : memref<20016xf32, #tpu.memory_space<vmem>>, vector<16xf32>,
        %jit3A_336 = arith.constant 0xFF800000 : f32
        %broadcast_in_dim3A_337 = vector.broadcast %jit3A_336 : f32 to vector<16xf32>
        %select_n3A_338 = arith.select %eq3A_331, %get3A_335, %broadcast_in_dim3A_337 : vector<16xi1>, vector<16xf32>
        %reduce_max3A_339 = arith.constant true
        %reduce_max3A_340 = vector.broadcast %reduce_max3A_339 : i1 to vector<16xi1>
        %reduce_max3A_341 = tpu.scan <max>, %select_n3A_338 masked %reduce_max3A_340 : vector<16xf32>, vector<16xi1> -> vector<16xf32>
        %reduce_max3A_342 = vector.extract %reduce_max3A_341[15] : f32 from vector<16xf32>
        %get3A_343 = arith.index_cast %mul3A_328 : i32 to index
        %get3A_344 = tpu.vector_load %arg29[%get3A_343] {strides = array<i32>} : memref<20016xf32, #tpu.memory_space<vmem>>, vector<16xf32>,
        %jit3A_345 = arith.constant 0xFF800000 : f32
        %broadcast_in_dim3A_346 = vector.broadcast %jit3A_345 : f32 to vector<16xf32>
        %select_n3A_347 = arith.select %eq3A_331, %get3A_344, %broadcast_in_dim3A_346 : vector<16xi1>, vector<16xf32>
        %reduce_max3A_348 = arith.constant true
        %reduce_max3A_349 = vector.broadcast %reduce_max3A_348 : i1 to vector<16xi1>
        %reduce_max3A_350 = tpu.scan <max>, %select_n3A_347 masked %reduce_max3A_349 : vector<16xf32>, vector<16xi1> -> vector<16xf32>
        %reduce_max3A_351 = vector.extract %reduce_max3A_350[15] : f32 from vector<16xf32>
        %get3A_352 = arith.index_cast %mul3A_328 : i32 to index
        %get3A_353 = tpu.vector_load %arg30[%get3A_352] {strides = array<i32>} : memref<20016xf32, #tpu.memory_space<vmem>>, vector<16xf32>,
        %jit3A_354 = arith.constant 0xFF800000 : f32
        %broadcast_in_dim3A_355 = vector.broadcast %jit3A_354 : f32 to vector<16xf32>
        %select_n3A_356 = arith.select %eq3A_331, %get3A_353, %broadcast_in_dim3A_355 : vector<16xi1>, vector<16xf32>
        %reduce_max3A_357 = arith.constant true
        %reduce_max3A_358 = vector.broadcast %reduce_max3A_357 : i1 to vector<16xi1>
        %reduce_max3A_359 = tpu.scan <max>, %select_n3A_356 masked %reduce_max3A_358 : vector<16xf32>, vector<16xi1> -> vector<16xf32>
        %reduce_max3A_360 = vector.extract %reduce_max3A_359[15] : f32 from vector<16xf32>
        %get3A_361 = arith.index_cast %mul3A_328 : i32 to index
        %get3A_362 = tpu.vector_load %arg31[%get3A_361] {strides = array<i32>} : memref<20016xf32, #tpu.memory_space<vmem>>, vector<16xf32>,
        %jit3A_363 = arith.constant 0xFF800000 : f32
        %broadcast_in_dim3A_364 = vector.broadcast %jit3A_363 : f32 to vector<16xf32>
        %select_n3A_365 = arith.select %eq3A_331, %get3A_362, %broadcast_in_dim3A_364 : vector<16xi1>, vector<16xf32>
        %reduce_max3A_366 = arith.constant true
        %reduce_max3A_367 = vector.broadcast %reduce_max3A_366 : i1 to vector<16xi1>
        %reduce_max3A_368 = tpu.scan <max>, %select_n3A_365 masked %reduce_max3A_367 : vector<16xf32>, vector<16xi1> -> vector<16xf32>
        %reduce_max3A_369 = vector.extract %reduce_max3A_368[15] : f32 from vector<16xf32>
        scf.yield %add3A_190, %select_n3A_241, %select_n3A_333, %reduce_max3A_342, %reduce_max3A_351, %reduce_max3A_360, %reduce_max3A_369, %select_n3A_302 : i32, i32, f32, f32, f32, f32, f32, i32
      }
      %broadcast_in_dim3A_151 = vector.broadcast %while3A_150#0 : i32 to vector<16xi32>
      %swap3A = arith.constant 0 : index
      %swap3A_152 = tpu.vector_load %arg38[%swap3A] {strides = array<i32>} : memref<16xi32, #tpu.memory_space<vmem>>, vector<16xi32>,
      tpu.vector_store %arg38[%swap3A], %broadcast_in_dim3A_151 {strides = array<i32>} : memref<16xi32, #tpu.memory_space<vmem>>, vector<16xi32>,
      %mul3A_153 = arith.constant 768 : i32
      %mul3A_154 = arith.muli %add3A, %mul3A_153 : i32
      "tpu.region"() ({
        %run_scoped3A = tpu.sem_alloc : memref<!tpu.dma_semaphore, #tpu.memory_space<semaphore_mem>>
        %dma_start3A = tpu.memref_slice %arg12[%mul3A_154] : memref<6144xf32, #tpu.memory_space<hbm>> -> memref<768xf32, #tpu.memory_space<hbm>>
        %dma_start3A_165 = tpu.memref_slice %arg12[%mul3A_154] : memref<6144xf32, #tpu.memory_space<hbm>> -> memref<768xf32, #tpu.memory_space<hbm>>
        tpu.enqueue_dma source(%arg33 : memref<768xf32, #tpu.memory_space<vmem>>) target(%dma_start3A_165 : memref<768xf32, #tpu.memory_space<hbm>>) target_semaphore(%run_scoped3A : memref<!tpu.dma_semaphore, #tpu.memory_space<semaphore_mem>>)
        %dma_wait3A = tpu.memref_slice %arg12[%mul3A_154] : memref<6144xf32, #tpu.memory_space<hbm>> -> memref<768xf32, #tpu.memory_space<hbm>>
        %dma_wait3A_166 = tpu.memref_slice %arg12[%mul3A_154] : memref<6144xf32, #tpu.memory_space<hbm>> -> memref<768xf32, #tpu.memory_space<hbm>>
        tpu.wait_dma2 semaphore(%run_scoped3A : memref<!tpu.dma_semaphore, #tpu.memory_space<semaphore_mem>>) src(%arg33 : memref<768xf32, #tpu.memory_space<vmem>>) dst(%dma_wait3A_166 : memref<768xf32, #tpu.memory_space<hbm>>)
        tpu.yield
      }) : () -> ()
      %mul3A_155 = arith.constant 768 : i32
      %mul3A_156 = arith.muli %add3A, %mul3A_155 : i32
      "tpu.region"() ({
        %run_scoped3A = tpu.sem_alloc : memref<!tpu.dma_semaphore, #tpu.memory_space<semaphore_mem>>
        %dma_start3A = tpu.memref_slice %arg13[%mul3A_156] : memref<6144xf32, #tpu.memory_space<hbm>> -> memref<768xf32, #tpu.memory_space<hbm>>
        %dma_start3A_165 = tpu.memref_slice %arg13[%mul3A_156] : memref<6144xf32, #tpu.memory_space<hbm>> -> memref<768xf32, #tpu.memory_space<hbm>>
        tpu.enqueue_dma source(%arg34 : memref<768xf32, #tpu.memory_space<vmem>>) target(%dma_start3A_165 : memref<768xf32, #tpu.memory_space<hbm>>) target_semaphore(%run_scoped3A : memref<!tpu.dma_semaphore, #tpu.memory_space<semaphore_mem>>)
        %dma_wait3A = tpu.memref_slice %arg13[%mul3A_156] : memref<6144xf32, #tpu.memory_space<hbm>> -> memref<768xf32, #tpu.memory_space<hbm>>
        %dma_wait3A_166 = tpu.memref_slice %arg13[%mul3A_156] : memref<6144xf32, #tpu.memory_space<hbm>> -> memref<768xf32, #tpu.memory_space<hbm>>
        tpu.wait_dma2 semaphore(%run_scoped3A : memref<!tpu.dma_semaphore, #tpu.memory_space<semaphore_mem>>) src(%arg34 : memref<768xf32, #tpu.memory_space<vmem>>) dst(%dma_wait3A_166 : memref<768xf32, #tpu.memory_space<hbm>>)
        tpu.yield
      }) : () -> ()
      %mul3A_157 = arith.constant 768 : i32
      %mul3A_158 = arith.muli %add3A, %mul3A_157 : i32
      "tpu.region"() ({
        %run_scoped3A = tpu.sem_alloc : memref<!tpu.dma_semaphore, #tpu.memory_space<semaphore_mem>>
        %dma_start3A = tpu.memref_slice %arg14[%mul3A_158] : memref<6144xf32, #tpu.memory_space<hbm>> -> memref<768xf32, #tpu.memory_space<hbm>>
        %dma_start3A_165 = tpu.memref_slice %arg14[%mul3A_158] : memref<6144xf32, #tpu.memory_space<hbm>> -> memref<768xf32, #tpu.memory_space<hbm>>
        tpu.enqueue_dma source(%arg35 : memref<768xf32, #tpu.memory_space<vmem>>) target(%dma_start3A_165 : memref<768xf32, #tpu.memory_space<hbm>>) target_semaphore(%run_scoped3A : memref<!tpu.dma_semaphore, #tpu.memory_space<semaphore_mem>>)
        %dma_wait3A = tpu.memref_slice %arg14[%mul3A_158] : memref<6144xf32, #tpu.memory_space<hbm>> -> memref<768xf32, #tpu.memory_space<hbm>>
        %dma_wait3A_166 = tpu.memref_slice %arg14[%mul3A_158] : memref<6144xf32, #tpu.memory_space<hbm>> -> memref<768xf32, #tpu.memory_space<hbm>>
        tpu.wait_dma2 semaphore(%run_scoped3A : memref<!tpu.dma_semaphore, #tpu.memory_space<semaphore_mem>>) src(%arg35 : memref<768xf32, #tpu.memory_space<vmem>>) dst(%dma_wait3A_166 : memref<768xf32, #tpu.memory_space<hbm>>)
        tpu.yield
      }) : () -> ()
      %mul3A_159 = arith.constant 768 : i32
      %mul3A_160 = arith.muli %add3A, %mul3A_159 : i32
      "tpu.region"() ({
        %run_scoped3A = tpu.sem_alloc : memref<!tpu.dma_semaphore, #tpu.memory_space<semaphore_mem>>
        %dma_start3A = tpu.memref_slice %arg15[%mul3A_160] : memref<6144xf32, #tpu.memory_space<hbm>> -> memref<768xf32, #tpu.memory_space<hbm>>
        %dma_start3A_165 = tpu.memref_slice %arg15[%mul3A_160] : memref<6144xf32, #tpu.memory_space<hbm>> -> memref<768xf32, #tpu.memory_space<hbm>>
        tpu.enqueue_dma source(%arg36 : memref<768xf32, #tpu.memory_space<vmem>>) target(%dma_start3A_165 : memref<768xf32, #tpu.memory_space<hbm>>) target_semaphore(%run_scoped3A : memref<!tpu.dma_semaphore, #tpu.memory_space<semaphore_mem>>)
        %dma_wait3A = tpu.memref_slice %arg15[%mul3A_160] : memref<6144xf32, #tpu.memory_space<hbm>> -> memref<768xf32, #tpu.memory_space<hbm>>
        %dma_wait3A_166 = tpu.memref_slice %arg15[%mul3A_160] : memref<6144xf32, #tpu.memory_space<hbm>> -> memref<768xf32, #tpu.memory_space<hbm>>
        tpu.wait_dma2 semaphore(%run_scoped3A : memref<!tpu.dma_semaphore, #tpu.memory_space<semaphore_mem>>) src(%arg36 : memref<768xf32, #tpu.memory_space<vmem>>) dst(%dma_wait3A_166 : memref<768xf32, #tpu.memory_space<hbm>>)
        tpu.yield
      }) : () -> ()
      %mul3A_161 = arith.constant 768 : i32
      %mul3A_162 = arith.muli %add3A, %mul3A_161 : i32
      "tpu.region"() ({
        %run_scoped3A = tpu.sem_alloc : memref<!tpu.dma_semaphore, #tpu.memory_space<semaphore_mem>>
        %dma_start3A = tpu.memref_slice %arg16[%mul3A_162] : memref<6144xf32, #tpu.memory_space<hbm>> -> memref<768xf32, #tpu.memory_space<hbm>>
        %dma_start3A_165 = tpu.memref_slice %arg16[%mul3A_162] : memref<6144xf32, #tpu.memory_space<hbm>> -> memref<768xf32, #tpu.memory_space<hbm>>
        tpu.enqueue_dma source(%arg37 : memref<768xf32, #tpu.memory_space<vmem>>) target(%dma_start3A_165 : memref<768xf32, #tpu.memory_space<hbm>>) target_semaphore(%run_scoped3A : memref<!tpu.dma_semaphore, #tpu.memory_space<semaphore_mem>>)
        %dma_wait3A = tpu.memref_slice %arg16[%mul3A_162] : memref<6144xf32, #tpu.memory_space<hbm>> -> memref<768xf32, #tpu.memory_space<hbm>>
        %dma_wait3A_166 = tpu.memref_slice %arg16[%mul3A_162] : memref<6144xf32, #tpu.memory_space<hbm>> -> memref<768xf32, #tpu.memory_space<hbm>>
        tpu.wait_dma2 semaphore(%run_scoped3A : memref<!tpu.dma_semaphore, #tpu.memory_space<semaphore_mem>>) src(%arg37 : memref<768xf32, #tpu.memory_space<vmem>>) dst(%dma_wait3A_166 : memref<768xf32, #tpu.memory_space<hbm>>)
        tpu.yield
      }) : () -> ()
      %mul3A_163 = arith.constant 16 : i32
      %mul3A_164 = arith.muli %add3A, %mul3A_163 : i32
      "tpu.region"() ({
        %run_scoped3A = tpu.sem_alloc : memref<!tpu.dma_semaphore, #tpu.memory_space<semaphore_mem>>
        %dma_start3A = tpu.memref_slice %arg17[%mul3A_164] : memref<128xi32, #tpu.memory_space<hbm>> -> memref<16xi32, #tpu.memory_space<hbm>>
        %dma_start3A_165 = tpu.memref_slice %arg17[%mul3A_164] : memref<128xi32, #tpu.memory_space<hbm>> -> memref<16xi32, #tpu.memory_space<hbm>>
        tpu.enqueue_dma source(%arg38 : memref<16xi32, #tpu.memory_space<vmem>>) target(%dma_start3A_165 : memref<16xi32, #tpu.memory_space<hbm>>) target_semaphore(%run_scoped3A : memref<!tpu.dma_semaphore, #tpu.memory_space<semaphore_mem>>)
        %dma_wait3A = tpu.memref_slice %arg17[%mul3A_164] : memref<128xi32, #tpu.memory_space<hbm>> -> memref<16xi32, #tpu.memory_space<hbm>>
        %dma_wait3A_166 = tpu.memref_slice %arg17[%mul3A_164] : memref<128xi32, #tpu.memory_space<hbm>> -> memref<16xi32, #tpu.memory_space<hbm>>
        tpu.wait_dma2 semaphore(%run_scoped3A : memref<!tpu.dma_semaphore, #tpu.memory_space<semaphore_mem>>) src(%arg38 : memref<16xi32, #tpu.memory_space<vmem>>) dst(%dma_wait3A_166 : memref<16xi32, #tpu.memory_space<hbm>>)
        tpu.yield
      }) : () -> ()
    } else {
    }
    return
  }
}

</mosaic_0001>

<sc_bundles>
// kernel: kernel.3.cloned.1.call-start
scs
__scs_entry_jumppad:
0x0: {  	(pc) =	sbr.rel $0x88, $3  }
0x1: {  	(tag) =	ssettag $0x0;
	lr =	simm.s32 $0x1  }
0x2: {  	[smem:$0x3F9E] =	sst lr;
	_ =	strace $0xD0000000  }
0x3: {  	_ = 	snop  }
0x4: {  	_ = 	snop  }
0x5: {  	_ = 	snop  }
0x6: {  	_ = 	snop  }
0x7: {  	_ = 	snop  }
__scs_overlays_trampoline_lowered:
0x8: {  	[smem:$0x3FAD] =	sst s0  }
0x9: {  	[smem:$0x3FAE] =	sst s1  }
0xa: {  	[smem:$0x3FAF] =	sst s2  }
0xb: {  	[smem:$0x3FB0] =	sst s3  }
0xc: {  	[smem:$0x3FB1] =	sst s4  }
0xd: {  	[smem:$0x3FB2] =	sst s5  }
0xe: {  	[smem:$0x3FB3] =	sst s6  }
0xf: {  	[smem:$0x3FB4] =	sst s7  }
0x10: {  	[smem:$0x3FB5] =	sst s8  }
0x11: {  	[smem:$0x3FB6] =	sst s9;
	s0 =	simm.s32 @!p0 $0x0  }
0x12: {  	s1 =	sld [smem:$0x3F9C];
	s0 =	simm.s32 @p0 $0x1  }
0x13: {  	[smem:$0x3FB7] =	sst s0;
	s0 =	simm.s32 @!p1 $0x0  }
0x14: {  	s2 =	sld [smem:$0x3F9B];
	s0 =	simm.s32 @p1 $0x1  }
0x15: {  	[smem:$0x3FB8] =	sst s0;
	s0 =	simm.s32 @!p2 $0x0  }
0x16: {  	s3 =	sld [smem:$0x3FDB];
	s0 =	simm.s32 @p2 $0x1  }
0x17: {  	s4 =	simm.s32 $0x1BF5;
	[smem:$0x3FBA] =	sst s0  }
0x18: {  	s0 =	sld [smem:$0x3F9D];
	_ =	swait.ge [sflag:s4], $0x0  }
0x19: {  	s7 =	sld [smem:$0x3F9E]  }
0x1a: {  	s8 =	sadd.s32 $0xFFFFE003, lr  }
0x1b: {  	s9 =	sadd.s32 $0xFFFFFEF7, lr;
	s5 =	simm.s32 $0xFFFFFFFF;
	p2 =	slt.u32 s8, $0xFFFFF086  }
0x1c: {  	p1 =	slt.u32 s9, $0xF7A;
	s5 =	simm.s32 @!p2 $0x0  }
0x1d: {  	s5 =	simm.s32 @p1 $0x1;
	p0 =	seq.s32 s7, s2  }
0x1e: {  	s7 =	smul.u32 @!p0 $0xF7A, s2;
	p2 =	seq.s32 @!p0 s5, $0x0  }
0x1f: {  	s9 =	smul.u32 $0xF7A, s1;
	s8 =	simm.s32 @!p0 $0x1BF5;
	p2 =	por !p2, p0  }
0x20: {  	[sflag:s8] =	ssyncset.s32 @!p0 $0xFFFFF086;
	s6 =	sadd.s32 @!p0 s3, s7;
	s7 =	simm.s32 @!p0 $0x108  }
0x21: {  	s3 =	sadd.s32 s3, s9;
	s6 =	sadd.s32 @!p0 $0x88, s6;
	s7 =	simm.s32 @p2 $0x1082  }
0x22: {  	[simem:s7], [sflag:s8] =	dma.local @!p0 [hbm:s6], $0xF7A  }
0x23: {  	s9 =	sor.u32 $0xD0000000, s2;
	s6 =	simm.s32 $0x108;
	_ =	swait.ge @!p0 [sflag:s8], $0x0  }
0x24: {  	s3 =	sadd.s32 $0x88, s3;
	s6 =	simm.s32 @!p1 $0x1082;
	[sflag:s4] =	ssyncset.s32 $0xFFFFF086  }
0x25: {  	[simem:s6], [sflag:s4] =	dma.local [hbm:s3], $0xF7A  }
0x26: {  	[smem:$0x3F9E] =	sst s1;
	(tag) =	ssettag s2;
	_ =	strace s9  }
0x27: {  	s1 =	sld [smem:$0x3FAE]  }
0x28: {  	s2 =	sld [smem:$0x3FAF]  }
0x29: {  	s4 =	sld [smem:$0x3FB1]  }
0x2a: {  	p0 =	seq.s32 s5, $0x0;
	s5 =	sld [smem:$0x3FB2]  }
0x2b: {  	s6 =	sld [smem:$0x3FB3]  }
0x2c: {  	s7 =	sld [smem:$0x3FB4]  }
0x2d: {  	s3 =	simm.s32 $0x108;
	s8 =	sld [smem:$0x3FB5]  }
0x2e: {  	s3 =	simm.s32 @!p0 $0x1082;
	s9 =	sld [smem:$0x3FB6]  }
0x2f: {  	lr =	sadd.s32 s0, s3;
	s0 =	sld [smem:$0x3FAD]  }
0x30: {  	s3 =	sld [smem:$0x3FB0]  }
0x31: {  	[smem:$0x3FB9] =	sst s10  }
0x32: {  	s10 =	sld [smem:$0x3FB7];
	_ =	sdelay $0x3  }
0x33: {  	p0 =	seq.s32 s10, $0x1;
	s10 =	sld [smem:$0x3FB9];
	_ =	sdelay $0x3  }
0x34: {  	[smem:$0x3FB9] =	sst s10  }
0x35: {  	s10 =	sld [smem:$0x3FB8];
	_ =	sdelay $0x3  }
0x36: {  	p1 =	seq.s32 s10, $0x1;
	s10 =	sld [smem:$0x3FB9];
	_ =	sdelay $0x3  }
0x37: {  	[smem:$0x3FB9] =	sst s10  }
0x38: {  	s10 =	sld [smem:$0x3FBA]  }
0x39: {  	_ = 	snop;
	(pc) =	sbr.ind lr, $3  }
0x3a: {  	_ = 	snop  }
0x3b: {  	_ = 	snop  }
0x3c: {  	p2 =	seq.s32 s10, $0x1;
	s10 =	sld [smem:$0x3FB9]  }
0x3d: {  	_ =	shalt  }
0x3e: {  	_ =	shalt  }
0x3f: {  	_ =	shalt  }
0x40: {  	_ =	shalt  }
0x41: {  	_ =	shalt  }
0x42: {  	_ =	shalt  }
0x43: {  	_ =	shalt  }
0x44: {  	_ =	shalt  }
0x45: {  	_ =	shalt  }
0x46: {  	_ =	shalt  }
0x47: {  	_ =	shalt  }
0x48: {  	_ =	shalt  }
0x49: {  	_ =	shalt  }
0x4a: {  	_ =	shalt  }
0x4b: {  	_ =	shalt  }
0x4c: {  	_ =	shalt  }
0x4d: {  	_ =	shalt  }
0x4e: {  	_ =	shalt  }
0x4f: {  	_ =	shalt  }
0x50: {  	_ =	shalt  }
0x51: {  	_ =	shalt  }
0x52: {  	_ =	shalt  }
0x53: {  	_ =	shalt  }
0x54: {  	_ =	shalt  }
0x55: {  	_ =	shalt  }
0x56: {  	_ =	shalt  }
0x57: {  	_ =	shalt  }
0x58: {  	_ =	shalt  }
0x59: {  	_ =	shalt  }
0x5a: {  	_ =	shalt  }
0x5b: {  	_ =	shalt  }
0x5c: {  	_ =	shalt  }
0x5d: {  	_ =	shalt  }
0x5e: {  	_ =	shalt  }
0x5f: {  	_ =	shalt  }
0x60: {  	_ =	shalt  }
0x61: {  	_ =	shalt  }
0x62: {  	_ =	shalt  }
0x63: {  	_ =	shalt  }
0x64: {  	_ =	shalt  }
0x65: {  	_ =	shalt  }
0x66: {  	_ =	shalt  }
0x67: {  	_ =	shalt  }
0x68: {  	_ =	shalt  }
0x69: {  	_ =	shalt  }
0x6a: {  	_ =	shalt  }
0x6b: {  	_ =	shalt  }
0x6c: {  	_ =	shalt  }
0x6d: {  	_ =	shalt  }
0x6e: {  	_ =	shalt  }
0x6f: {  	_ =	shalt  }
0x70: {  	_ =	shalt  }
0x71: {  	_ =	shalt  }
0x72: {  	_ =	shalt  }
0x73: {  	_ =	shalt  }
0x74: {  	_ =	shalt  }
0x75: {  	_ =	shalt  }
0x76: {  	_ =	shalt  }
0x77: {  	_ =	shalt  }
0x78: {  	_ =	shalt  }
0x79: {  	_ =	shalt  }
0x7a: {  	_ =	shalt  }
0x7b: {  	_ =	shalt  }
0x7c: {  	_ =	shalt  }
0x7d: {  	_ =	shalt  }
0x7e: {  	_ =	shalt  }
0x7f: {  	_ =	shalt  }
0x80: {  	_ =	shalt  }
0x81: {  	_ =	shalt  }
0x82: {  	_ =	shalt  }
0x83: {  	_ =	shalt  }
0x84: {  	_ =	shalt  }
0x85: {  	_ =	shalt  }
0x86: {  	_ =	shalt  }
0x87: {  	_ =	shalt  }
.Lfunc_end0:
.L_simem_size_0:
called_computation_lowered:
.L_overlay_start_0:
0x88: {  	s2 =	sld [smem:$0x3FD9]  }
0x89: {  	s3 =	sld [smem:$0x3FFE];
	_ =	sdelay $0x1  }
0x8a: {  	s1 =	srdreg.scid  }
0x8b: {  	s0 =	sand.u32 $0x1, s1  }
0x8c: {  	s14 =	sshll.u32 s0, $0xA;
	s2 =	sadd.s32 s3, s2  }
0x8d: {  	s2 =	sadd.s32 s2, s14  }
0x8e: {  	[smem:$0x3FC5] =	sst s2  }
0x8f: {  	_ = 	snop  }
0x90: {  	s2 =	sld [smem:$0x3FD0];
	_ =	sdelay $0x2  }
0x91: {  	s15 =	simm.s32 $0xA;
	s4 =	simm.s32 $0x10  }
0x92: {  	[smem:s4], [sflag:s15] =	dma.local [hbm:s2], $0x1  }
0x93: {  	_ =	swait.eq [sflag:s15], $0x1  }
0x94: {  	s16 =	sld [smem:$0x10]  }
0x95: {  	s17 =	sld [smem:$0x11];
	[sflag:s15] =	ssyncset.done $0x0  }
0x96: {  	s5 =	sld [smem:$0x12];
	[sflag:s15] =	ssyncadd.s32 $0xFFFFFFFF  }
0x97: {  	s18 =	sld [smem:$0x13];
	(tm) =	ssettm $0x1  }
0x98: {  	s6 =	sld [smem:$0x3FFB];
	_ =	sdelay $0x3  }
0x99: {  	_ =	strace s6  }
0x9a: {  	s6 =	sld [smem:$0x3FFC];
	_ =	sdelay $0x3  }
0x9b: {  	_ =	strace s6  }
0x9c: {  	s6 =	sld [smem:$0x3FFD];
	_ =	sdelay $0x3  }
0x9d: {  	_ =	strace s6  }
0x9e: {  	_ =	strace $0x8FFFFFFF  }
0x9f: {  	s19 =	sld [smem:$0x3FDB];
	_ =	sdelay $0x1  }
0xa0: {  	s7 =	simm.s32 $_scs_section_size  }
0xa1: {  	s8 =	simm.s32 $_size__tile_overlayer_lowered;
	s9 =	simm.s32 $_tile_overlayer_lowered  }
0xa2: {  	s22 =	simm.s32 $0x1BFF;
	s21 =	sshll.u32 s9, $0x1;
	s6 =	sadd.s32 s7, s19  }
0xa3: {  	s10 =	simm.s32 $0x0;
	s20 =	sshll.u32 s8, $0x1;
	s8 =	sadd.s32 s21, s6  }
0xa4: {  	[timem:s10], [sflag:s22] =	dma.local [hbm:s8], s20  }
0xa5: {  	_ =	swait.ge [sflag:s22], s20  }
0xa6: {  	s7 =	ssub.s32 $0x0, s20;
	[sflag:s22] =	ssyncset.done $0x0  }
0xa7: {  	[sflag:s22] =	ssyncadd.s32 s7;
	_ =	sdelay $0x1  }
0xa8: {  	s23 =	simm.s32 $0x1B8B  }
0xa9: {  	_ =	swait.ge [sflag:s23], $0x1  }
0xaa: {  	[sflag:s23] =	ssyncset.done $0x0  }
0xab: {  	s25 =	simm.s32 $0x1B8E;
	s24 =	sld [smem:$0x3FFE];
	[sflag:s23] =	ssyncadd.s32 $0xFFFFFFFF  }
0xac: {  	s26 =	simm.s32 $execute0_lowered;
	[smem:$0x3FD2] =	sst s25  }
0xad: {  	s8 =	sshll.u32 s26, $0x1;
	_ =	strace $0x80000046;
	[dreg:$0x1] =	wrdreg $0xFFFFFFFF  }
0xae: {  	s28 =	simm.s32 $_size_execute0_lowered;
	s6 =	sadd.s32 s6, s8;
	[dreg:$0x0] =	wrdreg $0x0  }
0xaf: {  	s8 =	sshll.u32 s28, $0x1;
	[dreg:$0x2] =	wrdreg s6  }
0xb0: {  	[dreg:$0x3] =	wrdreg s8  }
0xb1: {  	[dreg:$0x4] =	wrdreg $0xC0  }
0xb2: {  	_ =	task [dreg:s10], $0x5FFFF  }
0xb3: {  	[dreg:$0x1] =	wrdreg $0xFFFFFFFF  }
0xb4: {  	[dreg:$0x0] =	wrdreg $0x60  }
0xb5: {  	[dreg:$0x2] =	wrdreg s24  }
0xb6: {  	[dreg:$0x3] =	wrdreg s16  }
0xb7: {  	[dreg:$0x4] =	wrdreg s5  }
0xb8: {  	[dreg:$0x5] =	wrdreg s17  }
0xb9: {  	[dreg:$0x6] =	wrdreg s18  }
0xba: {  	[dreg:$0x7] =	wrdreg $0x9  }
0xbb: {  	_ =	task.clear_ibuf [dreg:s10], $0x8FFFF;
	_ =	strace $0x90000046  }
0xbc: {  	s29 =	simm.s32 $0x9;
	_ =	strace $0x80000048  }
0xbd: {  	_ =	swait.ge [sflag:s29], $0x1  }
0xbe: {  	[sflag:s29] =	ssyncadd.s32 $0xFFFFFFFF  }
0xbf: {  	_ =	strace $0x90000048  }
0xc0: {  	_ =	sfence  }
0xc1: {  	s30 =	sld [smem:$0x0];
	_ =	sdelay $0x2  }
0xc2: {  	s31 =	sshll.u32 s1, $0xD;
	s1 =	sshrl.u32 s1, $0x2  }
0xc3: {  	s3 =	sand.u32 $0x4000, s31;
	s1 =	sadd.s32 s1, s30  }
0xc4: {  	s0 =	sor.u32 s3, s0;
	s1 =	sshll.u32 s1, $0x11  }
0xc5: {  	s0 =	sor.u32 s1, s0  }
0xc6: {  	s0 =	sadd.s32 $0x8F2B, s0  }
0xc7: {  	[sflag:s0] =	ssyncadd.remote.s32 $0x1  }
0xc8: {  	_ =	sfence.sel $0xFFFF  }
0xc9: {  	[dreg:$0x0] =	wrdreg $0xFFFFFFFF;
	(pc) =	sbr.abs _section_cstart, $3  }
0xca: {  	[dreg:$0x1] =	wrdreg $0xFFFFFFFF  }
0xcb: {  	_ =	task.clear_ibuf [dreg:s10], $0x2FFFF;
	_ =	strace $0x9FFFFFFF  }
0xcc: {  	(tm) =	ssettm $0x7FFFFFFF  }
0xcd: {  	_ =	shalt  }
tec
execute0_lowered:
.L_overlay_start_1:
0x0: {  	(tag) =	ssettag $0x1  }
0x1: {  	s16 =	rddreg [dreg:$0x0]  }
0x2: {  	s17 =	rddreg [dreg:$0x1]  }
0x3: {  	s1 =	rddreg [dreg:$0x2]  }
0x4: {  	s2 =	rddreg [dreg:$0x3];
	s3 =	simm.s32 $0x0  }
0x5: {  	[smem:$0x7FF] =	sst s3  }
0x6: {  	s0 =	rddreg [dreg:$0x4];
	v0 =	vimm.f32 $2.000000000e+00;
	_ =	strace $0x80000047  }
0x7: {  	(erf) = vrcp.f32 v0;
	_ =	sdelay $0x2  }
0x8: {  	s31 =	stileid.u32  }
0x9: {  	p0 =	sgt.u32 s31, $0x3  }
.Ltmp0:
0xa: {  	_ = 	snop;
	(pc) =	sbr.rel @p0 .LBB2_39-.Ltmp0, $2  }
0xb: {  	_ =	sdelay $0x2  }
0xc: {  	v0 =	vpop (erf)  }
0xd: {  	s3 =	srdreg.scid;
	s4 =	stileid.u32;
	s5 =	sadd.s32 $0x5000, s16  }
0xe: {  	s6 =	sadd.s32 $0xA000, s16;
	s7 =	sadd.s32 $0xF000, s16;
	s8 =	sadd.s32 $0x14000, s16  }
0xf: {  	s9 =	sadd.s32 $0x19000, s16;
	s10 =	sadd.s32 $0x1F400, s16;
	s11 =	sadd.s32 $0x1EA00, s16  }
0x10: {  	s12 =	sadd.s32 $0x1E000, s16;
	s18 =	simm.s32 $0x1800;
	s19 =	simm.s32 $0x2000  }
0x11: {  	s21 =	simm.s32 $0x2800;
	s3 =	sand.u32 $0x1, s3;
	s4 =	sshll.u32 s4, $0x1  }
0x12: {  	s31 =	simm.s32 $0x1;
	s20 =	simm.s32 $0x0;
	s4 =	sor.u32 s3, s4  }
0x13: {  	s23 =	ssub.s32 $0x2, s3;
	s14 =	smul.u32 $0x60, s4;
	s29 =	sshll.u32 s4, $0x1  }
0x14: {  	s13 =	smul.u32 $0x4E20, s4;
	s26 =	sshrl.u32 s23, $0x1;
	s0 =	sadd.s32 s0, s29  }
0x15: {  	s15 =	sadd.s32 s14, s16;
	s1 =	sadd.s32 s1, s14;
	[dreg:$0xb] =	wrdreg s0  }
0x16: {  	s22 =	sadd.s32 s2, s14;
	s14 =	simm.s32 $0x800;
	[dreg:$0x6] =	wrdreg s1  }
.Ltmp1:
0x17: {  	[dreg:$0x7] =	wrdreg s22;
	s24 =	sadd.s32 $0x20200, s15;
	(pc) =	sbr.rel .LBB2_2-.Ltmp1, $4  }
0x18: {  	s25 =	sadd.s32 $0x1FE00, s15;
	s28 =	sadd.s32 $0x20600, s15;
	[dreg:$0x8] =	wrdreg s24  }
0x19: {  	s1 =	ssub.s32 s23, s26;
	s15 =	simm.s32 $0x1000;
	[dreg:$0x9] =	wrdreg s25  }
0x1a: {  	v1 =	vimm.f32 $0.0e+00;
	s22 =	simm.s32 $0x3000;
	[dreg:$0xa] =	wrdreg s28;
	s30 =	smax.u32 s1, $0x1  }
0x1b: {  	v2 =	vimm.s32 $0x0;
	v3 =	vlaneseq.u32;
	v4 =	vimm.f32 $-Inf;
	s23 =	simm.s32 $0x3800;
	s24 =	simm.s32 $0x4000;
	[dreg:$0xc] =	wrdreg s30  }
.LBB2_37:
0x1c: {  	s4 =	smov.u32 @p1 s4;
	s20 =	rddreg [dreg:$0xd]  }
.LBB2_38:
0x1d: {  	v5 =	vmov s4;
	s0 =	simm.s32 $0x0  }
0x1e: {  	s1 =	rddreg [dreg:$0x6];
	s2 =	simm.s32 $0x1D880;
	s18 =	simm.s32 $0x2;
	[tilespmem:$0x1E780] =	vst v5  }
0x1f: {  	[hbm4b:s1+s0] =	stream.linear.scatter [tilespmem:s2], [sflag:$0x2], $0x300, $0x38;
	[tilespmem:$0x1E800] =	vst v63  }
0x20: {  	_ =	swait.ge [sflag:s18], $0x300  }
0x21: {  	[sflag:s18] =	ssyncset.done $0x0  }
0x22: {  	s3 =	simm.s32 $0x1DB80;
	s19 =	rddreg [dreg:$0x7];
	[sflag:s18] =	ssyncadd.s32 $0xFFFFFD00  }
0x23: {  	[hbm4b:s19+s0] =	stream.linear.scatter [tilespmem:s3], [sflag:$0x2], $0x300, $0x38;
	[tilespmem:$0x1E800] =	vst v63  }
0x24: {  	_ =	swait.ge [sflag:s18], $0x300  }
0x25: {  	[sflag:s18] =	ssyncset.done $0x0  }
0x26: {  	s22 =	simm.s32 $0x1DE80;
	s21 =	rddreg [dreg:$0x8];
	[sflag:s18] =	ssyncadd.s32 $0xFFFFFD00  }
0x27: {  	[hbm4b:s21+s0] =	stream.linear.scatter [tilespmem:s22], [sflag:$0x2], $0x300, $0x38;
	[tilespmem:$0x1E800] =	vst v63  }
0x28: {  	_ =	swait.ge [sflag:s18], $0x300  }
0x29: {  	[sflag:s18] =	ssyncset.done $0x0  }
0x2a: {  	s24 =	simm.s32 $0x1E180;
	s23 =	rddreg [dreg:$0x9];
	[sflag:s18] =	ssyncadd.s32 $0xFFFFFD00  }
0x2b: {  	[hbm4b:s23+s0] =	stream.linear.scatter [tilespmem:s24], [sflag:$0x2], $0x300, $0x38;
	[tilespmem:$0x1E800] =	vst v63  }
0x2c: {  	_ =	swait.ge [sflag:s18], $0x300  }
0x2d: {  	[sflag:s18] =	ssyncset.done $0x0  }
0x2e: {  	s26 =	simm.s32 $0x1E480;
	s25 =	rddreg [dreg:$0xa];
	[sflag:s18] =	ssyncadd.s32 $0xFFFFFD00  }
0x2f: {  	[hbm4b:s25+s0] =	stream.linear.scatter [tilespmem:s26], [sflag:$0x2], $0x300, $0x38;
	[tilespmem:$0x1E800] =	vst v63  }
0x30: {  	_ =	swait.ge [sflag:s18], $0x300  }
0x31: {  	[sflag:s18] =	ssyncset.done $0x0  }
0x32: {  	s29 =	simm.s32 $0x1E780;
	s28 =	rddreg [dreg:$0xb];
	[sflag:s18] =	ssyncadd.s32 $0xFFFFFD00  }
0x33: {  	[hbm4b:s28+s0] =	stream.linear.scatter [tilespmem:s29], [sflag:$0x2], $0x10, $0x38;
	[tilespmem:$0x1E800] =	vst v63  }
0x34: {  	_ =	swait.ge [sflag:s18], $0x10  }
0x35: {  	s20 =	sadd.s32 $0x1, s20;
	s30 =	rddreg [dreg:$0xc]  }
0x36: {  	p0 =	sne.s32 s20, s30  }
.Ltmp2:
0x37: {  	_ = 	snop;
	(pc) =	sbr.rel @!p0 .LBB2_39-.Ltmp2, $4  }
0x38: {  	s14 =	simm.s32 $0x800;
	s15 =	simm.s32 $0x1000;
	[sflag:s18] =	ssyncset.done $0x0  }
0x39: {  	s19 =	simm.s32 $0x2000;
	s21 =	simm.s32 $0x2800;
	[sflag:s18] =	ssyncadd.s32 $0xFFFFFFF0  }
0x3a: {  	s22 =	simm.s32 $0x3000;
	s23 =	simm.s32 $0x3800;
	s16 =	rddreg [dreg:$0x0]  }
0x3b: {  	s24 =	simm.s32 $0x4000;
	s18 =	simm.s32 $0x1800;
	s17 =	rddreg [dreg:$0x1]  }
.LBB2_2:
0x3c: {  	[dreg:$0xd] =	wrdreg s20  }
0x3d: {  	s20 =	simm.s32 $0x0;
	s1 =	simm.s32 $0x40;
	s0 =	simm.s32 $0x0  }
.LBB2_3:
0x3e: {  	p0 =	sne.s32 s1, $0xBC0;
	[tilespmem:s0+$0x1E480] =	vst v1;
	s2 =	smov.u32 s1;
	s1 =	sadd.s32 $0x40, s1  }
.Ltmp3:
0x3f: {  	[tilespmem:s0+$0x1E180] =	vst v1;
	(pc) =	sbr.rel @p0 .LBB2_3-.Ltmp3, $4  }
0x40: {  	[tilespmem:s0+$0x1DE80] =	vst v1  }
0x41: {  	[tilespmem:s0+$0x1D880] =	vst v1  }
0x42: {  	[tilespmem:s0+$0x1DB80] =	vst v1  }
0x43: {  	s0 =	sshra.s32 s2, $0x2  }
0x44: {  	[tilespmem:s0+$0x1E480] =	vst v1  }
0x45: {  	[tilespmem:s0+$0x1E180] =	vst v1  }
0x46: {  	[tilespmem:s0+$0x1DE80] =	vst v1  }
0x47: {  	[tilespmem:s0+$0x1D880] =	vst v1  }
0x48: {  	[tilespmem:s0+$0x1DB80] =	vst v1;
	v5 =	vimm.f32 $-Inf;
	s3 =	simm.s32 $0x0  }
.LBB2_5:
0x49: {  	s0 =	smul.u32 $0x7D0, s3;
	_ =	sdelay $0x1  }
0x4a: {  	s1 =	sadd.s32 s13, s0  }
0x4b: {  	s1 =	sshrl.u32 s1, $0x3  }
0x4c: {  	s4 =	simm.s32 $0x0;
	s2 =	sadd.s32 s16, s1  }
0x4d: {  	[tilespmem:s4], [sflag:$0x1] =	stream.linear.gather [hbm4b:s2+s4], $0x7D0, $0x38;
	[tilespmem:$0x1E800] =	vst v63  }
0x4e: {  	s26 =	sadd.s32 s5, s1  }
0x4f: {  	[tilespmem:s14], [sflag:$0x1] =	stream.linear.gather [hbm4b:s26+s4], $0x7D0, $0x38;
	[tilespmem:$0x1E800] =	vst v63  }
0x50: {  	s28 =	sadd.s32 s6, s1  }
0x51: {  	[tilespmem:s15], [sflag:$0x1] =	stream.linear.gather [hbm4b:s28+s4], $0x7D0, $0x38;
	[tilespmem:$0x1E800] =	vst v63  }
0x52: {  	s29 =	sadd.s32 s7, s1  }
0x53: {  	[tilespmem:s18], [sflag:$0x1] =	stream.linear.gather [hbm4b:s29+s4], $0x7D0, $0x38;
	[tilespmem:$0x1E800] =	vst v63  }
0x54: {  	s30 =	sadd.s32 s8, s1  }
0x55: {  	[tilespmem:s19], [sflag:$0x1] =	stream.linear.gather [hbm4b:s30+s4], $0x7D0, $0x38;
	[tilespmem:$0x1E800] =	vst v63  }
0x56: {  	s0 =	sshrl.u32 s0, $0x3;
	s1 =	sadd.s32 s9, s1  }
0x57: {  	[tilespmem:s21], [sflag:$0x1] =	stream.linear.gather [hbm4b:s1+s4], $0x7D0, $0x38;
	[tilespmem:$0x1E800] =	vst v63  }
0x58: {  	s25 =	sadd.s32 s10, s0  }
0x59: {  	[tilespmem:s22], [sflag:$0x1] =	stream.linear.gather [hbm4b:s25+s4], $0x7D0, $0x38;
	[tilespmem:$0x1E800] =	vst v63  }
0x5a: {  	s26 =	sadd.s32 s11, s0  }
0x5b: {  	[tilespmem:s23], [sflag:$0x1] =	stream.linear.gather [hbm4b:s26+s4], $0x7D0, $0x38;
	[tilespmem:$0x1E800] =	vst v63  }
0x5c: {  	s28 =	sadd.s32 s12, s0  }
0x5d: {  	[tilespmem:s24], [sflag:$0x1] =	stream.linear.gather [hbm4b:s28+s4], $0x7D0, $0x38;
	[tilespmem:$0x1E800] =	vst v63  }
0x5e: {  	s0 =	sadd.s32 s17, s0;
	s29 =	simm.s32 $0x4800  }
0x5f: {  	[tilespmem:s29], [sflag:$0x1] =	stream.linear.gather [hbm4b:s0+s4], $0x7D0, $0x38;
	[tilespmem:$0x1E800] =	vst v63  }
0x60: {  	_ =	swait.ge [sflag:s31], $0x7D0  }
0x61: {  	[sflag:s31] =	ssyncset.done $0x0  }
0x62: {  	[sflag:s31] =	ssyncadd.s32 $0xFFFFF830  }
0x63: {  	_ =	swait.ge [sflag:s31], $0x7D0  }
0x64: {  	[sflag:s31] =	ssyncset.done $0x0  }
0x65: {  	[sflag:s31] =	ssyncadd.s32 $0xFFFFF830  }
0x66: {  	_ =	swait.ge [sflag:s31], $0x7D0  }
0x67: {  	[sflag:s31] =	ssyncset.done $0x0  }
0x68: {  	[sflag:s31] =	ssyncadd.s32 $0xFFFFF830  }
0x69: {  	_ =	swait.ge [sflag:s31], $0x7D0  }
0x6a: {  	[sflag:s31] =	ssyncset.done $0x0  }
0x6b: {  	[sflag:s31] =	ssyncadd.s32 $0xFFFFF830  }
0x6c: {  	_ =	swait.ge [sflag:s31], $0x7D0  }
0x6d: {  	[sflag:s31] =	ssyncset.done $0x0  }
0x6e: {  	[sflag:s31] =	ssyncadd.s32 $0xFFFFF830  }
0x6f: {  	_ =	swait.ge [sflag:s31], $0x7D0  }
0x70: {  	[sflag:s31] =	ssyncset.done $0x0  }
0x71: {  	[sflag:s31] =	ssyncadd.s32 $0xFFFFF830  }
0x72: {  	_ =	swait.ge [sflag:s31], $0x7D0  }
0x73: {  	[sflag:s31] =	ssyncset.done $0x0  }
0x74: {  	[sflag:s31] =	ssyncadd.s32 $0xFFFFF830  }
0x75: {  	_ =	swait.ge [sflag:s31], $0x7D0  }
0x76: {  	[sflag:s31] =	ssyncset.done $0x0  }
0x77: {  	[sflag:s31] =	ssyncadd.s32 $0xFFFFF830  }
0x78: {  	_ =	swait.ge [sflag:s31], $0x7D0  }
0x79: {  	[sflag:s31] =	ssyncset.done $0x0  }
0x7a: {  	[sflag:s31] =	ssyncadd.s32 $0xFFFFF830  }
0x7b: {  	_ =	swait.ge [sflag:s31], $0x7D0  }
0x7c: {  	[sflag:s31] =	ssyncset.done $0x0  }
0x7d: {  	s30 =	simm.s32 $0x0;
	[sflag:s31] =	ssyncadd.s32 $0xFFFFF830  }
0x7e: {  	v6 =	vld [tilespmem:s30+$0x0]  }
0x7f: {  	v7 =	vld [tilespmem:s30+$0x800];
	_ =	sdelay $0x4  }
0x80: {  	v8 =	vmax.f32 v6, v7  }
0x81: {  	v6 =	vsub.f32 v6, v8  }
0x82: {  	v7 =	vsub.f32 v7, v8  }
0x83: {  	v8 =	vld [tilespmem:s30+$0x2000];
	v6 =	vmul.f32 $1.442695020e+00, v6  }
0x84: {  	v9 =	vld [tilespmem:s30+$0x2800];
	v7 =	vmul.f32 $1.442695020e+00, v7  }
0x85: {  	(erf) = vpow2.f32 v6  }
0x86: {  	(erf) = vpow2.f32 v7;
	_ =	sdelay $0x1  }
0x87: {  	v6 =	vmul.f32 $2.000000030e-01, v8  }
0x88: {  	v7 =	vmul.f32 $2.000000030e-01, v9  }
0x89: {  	v6 =	vmul.f32 $1.442695020e+00, v6  }
0x8a: {  	v7 =	vmul.f32 $1.442695020e+00, v7;
	_ =	sdelay $0x1  }
0x8b: {  	(erf) = vpow2.f32 v6  }
0x8c: {  	v6 =	vpop (erf);
	(erf) = vpow2.f32 v7  }
0x8d: {  	v7 =	vpop (erf)  }
0x8e: {  	v8 =	vld [tilespmem:s30+$0x1000];
	v6 =	vadd.f32 v7, v6  }
0x8f: {  	v52 =	vld [tilespmem:s30+$0x1800]  }
0x90: {  	v10 =	vld [tilespmem:s30+$0x4000];
	(erf) = vrcp.f32 v6  }
0x91: {  	v6 =	vld [tilespmem:s30+$0x4800]  }
0x92: {  	v11 =	vld [tilespmem:s30+$0x3000]  }
0x93: {  	v12 =	vld [tilespmem:s30+$0x3800];
	v8 =	vmul.f32 $1.000000010e-01, v8  }
0x94: {  	v9 =	vmul.f32 $1.000000010e-01, v52;
	v13 =	vpop (erf)  }
0x95: {  	v8 =	vmul.f32 v8, v10;
	v10 =	vmul.f32 v13, v10;
	v53 =	vpop (erf)  }
0x96: {  	v9 =	vmul.f32 v9, v6;
	v6 =	vmul.f32 v53, v6  }
0x97: {  	v8 =	vadd.f32 v8, v11;
	v54 =	vmul.f32 v10, v0  }
0x98: {  	v9 =	vadd.f32 v9, v12;
	v55 =	vmul.f32 v6, v0  }
0x99: {  	v8 =	vsub.f32 v8, v54;
	v56 =	vpop (erf)  }
0x9a: {  	v7 =	vmul.f32 v56, v7;
	v9 =	vsub.f32 v9, v55  }
0x9b: {  	v57 =	vmul.f32 $1.024000000e+03, v8;
	v8 =	vadd.f32 v8, v10  }
0x9c: {  	v58 =	vmul.f32 $1.024000000e+03, v9;
	v6 =	vadd.f32 v9, v6;
	vm0 =	vgt.f32 v7, $3.000000120e-01  }
0x9d: {  	v8 =	vmul.f32 $1.024000000e+03, v8;
	[tilespmem:s20+$0x5000] =	vst.msk vm0, v57  }
0x9e: {  	v60 =	vsel vm0, $0x1, v2;
	v6 =	vmul.f32 $1.024000000e+03, v6;
	[tilespmem:s20+$0x9E80] =	vst.msk vm0, v58  }
0x9f: {  	(xrf0) =	vadd.scan.msk.s32 $0xffff, v60;
	[tilespmem:s20+$0xED00] =	vst.msk vm0, v8  }
0xa0: {  	v10 =	vmax.f32 v57, v58;
	[tilespmem:s20+$0x13B80] =	vst.msk vm0, v6;
	v6 =	vmax.f32 v8, v6  }
0xa1: {  	v6 =	vmax.f32 v10, v6  }
0xa2: {  	s2 =	simm.s32 $0x10;
	[tilespmem:s20+$0x18A00] =	vst.msk vm0, v7;
	v6 =	vmax.f32 v5, v6  }
0xa3: {  	v7 =	vld [tilespmem:s2+$0x0]  }
0xa4: {  	v59 =	vld [tilespmem:s2+$0x800]  }
0xa5: {  	v5 =	vsel vm0, v6, v5;
	v6, _, _ =	vpop (xrf0)  }
0xa6: {  	(v2sf) =	vpush v6, $0xF;
	_ =	sdelay $0x2  }
0xa7: {  	v61 =	vmax.f32 v7, v59  }
0xa8: {  	v7 =	vsub.f32 v7, v61  }
0xa9: {  	v9 =	vsub.f32 v59, v61  }
0xaa: {  	v7 =	vmul.f32 $1.442695020e+00, v7  }
0xab: {  	v62 =	vld [tilespmem:s2+$0x2000];
	v8 =	vmul.f32 $1.442695020e+00, v9  }
0xac: {  	v63 =	vld [tilespmem:s2+$0x2800];
	(erf) = vpow2.f32 v7  }
0xad: {  	(erf) = vpow2.f32 v8;
	_ =	sdelay $0x2  }
0xae: {  	v7 =	vmul.f32 $2.000000030e-01, v62  }
0xaf: {  	s1 =	simm.s32 $0x80;
	v6 =	vmul.f32 $2.000000030e-01, v63  }
.LBB2_6:
0xb0: {  	p0 =	sne.s32 s1, $0x1F00;
	v8 =	vmul.f32 $1.442695020e+00, v7;
	s0 =	smov.u32 s1;
	s1 =	sadd.s32 $0x40, s1  }
0xb1: {  	v9 =	vmul.f32 $1.442695020e+00, v6;
	s4 =	spop (v2sf)  }
0xb2: {  	(erf) = vpow2.f32 v8;
	s20 =	sadd.s32 s20, s4  }
0xb3: {  	v7 =	vpop (erf);
	(erf) = vpow2.f32 v9  }
0xb4: {  	v6 =	vpop (erf)  }
0xb5: {  	v7 =	vadd.f32 v6, v7;
	v8 =	vld [tilespmem:s2+$0x1000]  }
0xb6: {  	v9 =	vld [tilespmem:s2+$0x1800]  }
0xb7: {  	v10 =	vld [tilespmem:s2+$0x4000];
	(erf) = vrcp.f32 v7  }
0xb8: {  	v7 =	vld [tilespmem:s2+$0x4800]  }
0xb9: {  	v11 =	vld [tilespmem:s2+$0x3000]  }
0xba: {  	v12 =	vld [tilespmem:s2+$0x3800];
	v8 =	vmul.f32 $1.000000010e-01, v8  }
0xbb: {  	v9 =	vmul.f32 $1.000000010e-01, v9;
	v13 =	vpop (erf)  }
0xbc: {  	v8 =	vmul.f32 v8, v10;
	v10 =	vmul.f32 v13, v10;
	v13 =	vpop (erf)  }
0xbd: {  	v9 =	vmul.f32 v9, v7;
	v7 =	vmul.f32 v13, v7  }
0xbe: {  	v8 =	vadd.f32 v8, v11;
	v13 =	vmul.f32 v10, v0  }
0xbf: {  	v9 =	vadd.f32 v9, v12;
	v12 =	vmul.f32 v7, v0  }
0xc0: {  	v8 =	vsub.f32 v8, v13;
	v11 =	vpop (erf)  }
0xc1: {  	v6 =	vmul.f32 v11, v6;
	v9 =	vsub.f32 v9, v12  }
0xc2: {  	v11 =	vmul.f32 $1.024000000e+03, v8;
	v8 =	vadd.f32 v8, v10  }
0xc3: {  	v10 =	vmul.f32 $1.024000000e+03, v9;
	v7 =	vadd.f32 v9, v7;
	vm0 =	vgt.f32 v6, $3.000000120e-01  }
0xc4: {  	v8 =	vmul.f32 $1.024000000e+03, v8;
	[tilespmem:s20+$0x5000] =	vst.msk vm0, v11;
	v9 =	vsel vm0, $0x1, v2  }
0xc5: {  	v7 =	vmul.f32 $1.024000000e+03, v7;
	v11 =	vmax.f32 v11, v10;
	[tilespmem:s20+$0x9E80] =	vst.msk vm0, v10;
	(xrf0) =	vadd.scan.msk.s32 $0xffff, v9  }
0xc6: {  	[tilespmem:s20+$0xED00] =	vst.msk vm0, v8  }
0xc7: {  	v8 =	vmax.f32 v8, v7;
	[tilespmem:s20+$0x13B80] =	vst.msk vm0, v7  }
0xc8: {  	s2 =	sshra.s32 s0, $0x2;
	v7 =	vmax.f32 v11, v8;
	[tilespmem:s20+$0x18A00] =	vst.msk vm0, v6  }
0xc9: {  	v6 =	vld [tilespmem:s2+$0x0];
	v9 =	vmax.f32 v5, v7  }
0xca: {  	v8 =	vld [tilespmem:s2+$0x800];
	v5 =	vsel vm0, v9, v5  }
0xcb: {  	v7, _, _ =	vpop (xrf0)  }
0xcc: {  	(v2sf) =	vpush v7, $0xF;
	_ =	sdelay $0x2  }
0xcd: {  	v7 =	vmax.f32 v6, v8  }
0xce: {  	v6 =	vsub.f32 v6, v7;
	v7 =	vsub.f32 v8, v7;
	_ =	sdelay $0x1  }
0xcf: {  	v6 =	vmul.f32 $1.442695020e+00, v6;
	v7 =	vmul.f32 $1.442695020e+00, v7  }
0xd0: {  	v8 =	vld [tilespmem:s2+$0x2000]  }
0xd1: {  	v9 =	vld [tilespmem:s2+$0x2800];
	(erf) = vpow2.f32 v6  }
.Ltmp4:
0xd2: {  	(erf) = vpow2.f32 v7;
	(pc) =	sbr.rel @p0 .LBB2_6-.Ltmp4, $3  }
0xd3: {  	_ =	sdelay $0x1  }
0xd4: {  	v7 =	vmul.f32 $2.000000030e-01, v8  }
0xd5: {  	v6 =	vmul.f32 $2.000000030e-01, v9  }
0xd6: {  	_ =	sdelay $0x2  }
0xd7: {  	v7 =	vmul.f32 $1.442695020e+00, v7;
	v8 =	vpop (erf)  }
0xd8: {  	v6 =	vmul.f32 $1.442695020e+00, v6;
	v9 =	vpop (erf)  }
0xd9: {  	(erf) = vpow2.f32 v7;
	v7 =	vadd.f32 v9, v8  }
0xda: {  	(erf) = vpow2.f32 v6  }
0xdb: {  	(erf) = vrcp.f32 v7;
	_ =	sdelay $0x6  }
0xdc: {  	v6 =	vpop (erf)  }
0xdd: {  	v7 =	vpop (erf)  }
0xde: {  	v59 =	vpop (erf)  }
0xdf: {  	v8 =	vmul.f32 v59, v9;
	_ =	sdelay $0x1  }
0xe0: {  	vm0 =	vgt.f32 v8, $3.000000120e-01  }
0xe1: {  	v60 =	vsel vm0, $0x1, v2  }
0xe2: {  	(xrf0) =	vadd.scan.msk.s32 $0xffff, v60  }
0xe3: {  	v61 =	vld [tilespmem:s2+$0x1000]  }
0xe4: {  	v10 =	vld [tilespmem:s2+$0x1800]  }
0xe5: {  	v11 =	vld [tilespmem:s2+$0x4000]  }
0xe6: {  	v12 =	vld [tilespmem:s2+$0x4800];
	_ =	sdelay $0x1  }
0xe7: {  	v62 =	vld [tilespmem:s2+$0x3800];
	v14, _, _ =	vpop (xrf0)  }
0xe8: {  	v13 =	vld [tilespmem:s2+$0x3000];
	v10 =	vmul.f32 $1.000000010e-01, v10;
	(v2sf) =	vpush v14, $0xF  }
0xe9: {  	v9 =	vmul.f32 $1.000000010e-01, v61  }
0xea: {  	v10 =	vmul.f32 v10, v12;
	v6 =	vmul.f32 v6, v11  }
0xeb: {  	v7 =	vmul.f32 v7, v12;
	v9 =	vmul.f32 v9, v11  }
0xec: {  	v10 =	vadd.f32 v10, v62  }
0xed: {  	v12 =	vmul.f32 v7, v0;
	v11 =	vmul.f32 v6, v0;
	v9 =	vadd.f32 v9, v13;
	_ =	sdelay $0x1  }
0xee: {  	v10 =	vsub.f32 v10, v12;
	v9 =	vsub.f32 v9, v11;
	_ =	sdelay $0x1  }
0xef: {  	v7 =	vadd.f32 v10, v7;
	v6 =	vadd.f32 v9, v6  }
0xf0: {  	s3 =	sadd.s32 $0x1, s3;
	s0 =	spop (v2sf);
	v10 =	vmul.f32 $1.024000000e+03, v10;
	v9 =	vmul.f32 $1.024000000e+03, v9  }
0xf1: {  	p0 =	sne.s32 s3, $0xA;
	s0 =	sadd.s32 s20, s0;
	v7 =	vmul.f32 $1.024000000e+03, v7;
	v6 =	vmul.f32 $1.024000000e+03, v6  }
.Ltmp5:
0xf2: {  	[tilespmem:s0+$0x5000] =	vst.msk vm0, v9;
	(pc) =	sbr.rel @p0 .LBB2_5-.Ltmp5, $4  }
0xf3: {  	v9 =	vmax.f32 v9, v10;
	[tilespmem:s0+$0x9E80] =	vst.msk vm0, v10;
	v63 =	vmax.f32 v6, v7  }
0xf4: {  	[tilespmem:s0+$0xED00] =	vst.msk vm0, v6;
	v6 =	vmax.f32 v9, v63  }
0xf5: {  	[tilespmem:s0+$0x13B80] =	vst.msk vm0, v7;
	v6 =	vmax.f32 v5, v6;
	s1 =	spop (v2sf)  }
0xf6: {  	[tilespmem:s0+$0x18A00] =	vst.msk vm0, v8;
	v5 =	vsel vm0, v6, v5;
	s20 =	sadd.s32 s0, s1  }
0xf7: {  	(xrf0) =	vmax.scan.msk.f32 $0xffff, v5;
	_ =	sdelay $0x5  }
0xf8: {  	v5, _, _ =	vpop (xrf0)  }
0xf9: {  	(v2sf) =	vpush v5, $0xF;
	_ =	sdelay $0x5  }
0xfa: {  	s0 =	sadd.s32 $0xF, s20  }
0xfb: {  	s1 =	sand.u32 $0xF, s0  }
0xfc: {  	s2 =	sshra.s32 s0, $0x1F;
	p0 =	slt.s32 s0, $0x1;
	p1 =	sne.s32 s1, $0x0  }
0xfd: {  	s28 =	sshrl.u32 s2, $0x1C;
	p0 =	por !p0, !p1  }
0xfe: {  	s1 =	simm.s32 $0x1;
	s0 =	sadd.s32 s28, s0;
	p0 =	por !p0, !p0  }
0xff: {  	s0 =	sshra.s32 s0, $0x4;
	s1 =	simm.s32 @!p0 $0x0  }
0x100: {  	s0 =	ssub.s32 s0, s1  }
0x101: {  	p1 =	slt.s32 s0, $0x1  }
.Ltmp6:
0x102: {  	_ = 	snop;
	(pc) =	sbr.rel @p1 .LBB2_9-.Ltmp6, $4  }
0x103: {  	s29 =	spop (v2sf)  }
0x104: {  	s30 =	sshll.u32 s29, $0x1;
	s3 =	sadd.f32 $1.000000000e+00, s29  }
0x105: {  	p0 =	slt.u32 s30, $0xFF000000  }
0x106: {  	s3 =	simm.s32 @!p0 $0x3F800000  }
0x107: {  	p2 =	sne.s32 s0, $0x1  }
.Ltmp7:
0x108: {  	_ = 	snop;
	(pc) =	sbr.rel @!p2 .LBB2_11-.Ltmp7, $4  }
0x109: {  	_ = 	snop  }
0x10a: {  	s22 =	simm.s32 $0x5000;
	s21 =	simm.s32 $0x9E80;
	s19 =	simm.s32 $0xED00  }
0x10b: {  	s4 =	simm.s32 $0x13B80;
	v8 =	vmov s3;
	s2 =	simm.s32 $0x18A00;
	s1 =	simm.s32 $0x0  }
0x10c: {  	v7 =	vmov s20;
	v6 =	vimm.f32 $-Inf;
	v5 =	vimm.s32 $0x0;
	s0 =	sadd.s32 $0xFFFFFFFF, s0;
	p0 =	por $0x0, $0x0;
	p1 =	por $0x0, $0x0;
	v11 =	vld [tilespmem:s22+$0x0]  }
0x10d: {  	_ =	sdelay $0x3  }
0x10e: {  	v9 =	vadd.f32 v11, v8;
	_ =	sdelay $0x1  }
0x10f: {  	[tilespmem:s22+$0x0] =	vst v9  }
0x110: {  	v9 =	vld [tilespmem:s21+$0x0];
	_ =	sdelay $0x4  }
0x111: {  	v9 =	vadd.f32 v9, v8;
	_ =	sdelay $0x1  }
0x112: {  	[tilespmem:s21+$0x0] =	vst v9  }
0x113: {  	v9 =	vld [tilespmem:s19+$0x0];
	_ =	sdelay $0x4  }
0x114: {  	v9 =	vadd.f32 v9, v8;
	_ =	sdelay $0x1  }
0x115: {  	[tilespmem:s19+$0x0] =	vst v9  }
0x116: {  	v9 =	vld [tilespmem:s4+$0x0];
	_ =	sdelay $0x2  }
0x117: {  	p2 =	sne.s32 s0, $0x1  }
.Ltmp8:
0x118: {  	_ = 	snop;
	(pc) =	sbr.rel @!p2 .LBB2_13-.Ltmp8, $3  }
0x119: {  	v9 =	vadd.f32 v9, v8;
	_ =	sdelay $0x1  }
0x11a: {  	s22 =	simm.s32 $0x5010;
	[tilespmem:s4+$0x0] =	vst v9  }
0x11b: {  	s0 =	sadd.s32 $0xFFFFFFFF, s0;
	p0 =	por $0x1, $0x1;
	v11 =	vld [tilespmem:s22+$0x0]  }
0x11c: {  	_ =	sdelay $0x3  }
0x11d: {  	v9 =	vadd.f32 v11, v8;
	_ =	sdelay $0x1  }
0x11e: {  	v10 =	vld [tilespmem:s2+$0x0];
	s23 =	simm.s32 $0x9E90;
	[tilespmem:s22+$0x0] =	vst v9  }
0x11f: {  	v9 =	vld [tilespmem:s23+$0x0];
	_ =	sdelay $0x4  }
0x120: {  	v9 =	vadd.f32 v9, v8;
	_ =	sdelay $0x1  }
0x121: {  	s25 =	simm.s32 $0xED10;
	[tilespmem:s23+$0x0] =	vst v9  }
0x122: {  	v9 =	vld [tilespmem:s25+$0x0];
	_ =	sdelay $0x4  }
0x123: {  	v9 =	vadd.f32 v9, v8;
	_ =	sdelay $0x1  }
0x124: {  	s26 =	simm.s32 $0x13B90;
	[tilespmem:s25+$0x0] =	vst v9  }
0x125: {  	v9 =	vld [tilespmem:s26+$0x0];
	_ =	sdelay $0x2  }
0x126: {  	p2 =	sne.s32 s0, $0x1  }
.Ltmp9:
0x127: {  	v11 =	vor.u32 s1, v3;
	(pc) =	sbr.rel @!p2 .LBB2_15-.Ltmp9, $4  }
0x128: {  	vm0 =	vlt.s32 v11, v7;
	v9 =	vadd.f32 v9, v8  }
0x129: {  	v10 =	vnsel vm0, $0xFF800000, v10  }
0x12a: {  	s0 =	sadd.s32 $0xFFFFFFFF, s0;
	s22 =	simm.s32 $0x5020;
	vm0 =	vgt.f32 v10, v6;
	[tilespmem:s26+$0x0] =	vst v9  }
0x12b: {  	s24 =	simm.s32 $0x18A10;
	p1 =	por $0x1, $0x1;
	s28 =	simm.s32 $0x0;
	v9 =	vmax.f32 v6, v10;
	v10 =	vsel vm0, v11, v5;
	v11 =	vld [tilespmem:s22+$0x0]  }
.LBB2_16:
0x12c: {  	p2 =	sne.s32 s0, $0x1;
	v12 =	vld [tilespmem:s24+$0x0];
	_ =	sdelay $0x1  }
0x12d: {  	s28 =	sadd.s32 $0x10, s28  }
0x12e: {  	v13 =	vor.u32 s28, v3  }
0x12f: {  	vm0 =	vlt.s32 v13, v7;
	v11 =	vadd.f32 v11, v8  }
0x130: {  	v12 =	vnsel vm0, $0xFF800000, v12  }
0x131: {  	s23 =	sadd.s32 $0x10, s23;
	[tilespmem:s22+$0x0] =	vst v11;
	vm0 =	vgt.f32 v12, v9;
	v9 =	vmax.f32 v9, v12  }
0x132: {  	v11 =	vld [tilespmem:s23+$0x0];
	v10 =	vsel vm0, v13, v10;
	_ =	sdelay $0x4  }
0x133: {  	v11 =	vadd.f32 v11, v8;
	_ =	sdelay $0x1  }
0x134: {  	s25 =	sadd.s32 $0x10, s25;
	[tilespmem:s23+$0x0] =	vst v11  }
0x135: {  	v11 =	vld [tilespmem:s25+$0x0];
	_ =	sdelay $0x4  }
0x136: {  	v11 =	vadd.f32 v11, v8;
	_ =	sdelay $0x1  }
0x137: {  	s26 =	sadd.s32 $0x10, s26;
	[tilespmem:s25+$0x0] =	vst v11  }
0x138: {  	v11 =	vld [tilespmem:s26+$0x0];
	_ =	sdelay $0x3  }
.Ltmp10:
0x139: {  	(pc) =	sbr.rel @p2 .LBB2_16-.Ltmp10, $3  }
0x13a: {  	v11 =	vadd.f32 v11, v8;
	_ =	sdelay $0x1  }
0x13b: {  	s22 =	sadd.s32 $0x10, s22;
	[tilespmem:s26+$0x0] =	vst v11  }
0x13c: {  	s0 =	sadd.s32 $0xFFFFFFFF, s0;
	s24 =	sadd.s32 $0x10, s24;
	v11 =	vld [tilespmem:s22+$0x0]  }
.LBB2_17:
0x13d: {  	_ =	sdelay $0x3  }
0x13e: {  	v11 =	vadd.f32 v11, v8  }
0x13f: {  	s0 =	sadd.s32 @p0 $0x10, s23  }
0x140: {  	v12 =	vld @p0 [tilespmem:s24+$0x0];
	s21 =	smov.u32 @p0 s0;
	[tilespmem:s22+$0x0] =	vst v11  }
0x141: {  	v11 =	vld [tilespmem:s21+$0x0];
	_ =	sdelay $0x4  }
0x142: {  	v11 =	vadd.f32 v11, v8  }
0x143: {  	s0 =	sadd.s32 @p0 $0x10, s25  }
0x144: {  	s19 =	smov.u32 @p0 s0;
	[tilespmem:s21+$0x0] =	vst v11  }
0x145: {  	v11 =	vld [tilespmem:s19+$0x0];
	_ =	sdelay $0x4  }
0x146: {  	v11 =	vadd.f32 v11, v8  }
0x147: {  	s0 =	sadd.s32 @p0 $0x10, s26  }
0x148: {  	s4 =	smov.u32 @p0 s0;
	[tilespmem:s19+$0x0] =	vst v11  }
0x149: {  	v11 =	vld [tilespmem:s4+$0x0];
	_ =	sdelay $0x4  }
0x14a: {  	v8 =	vadd.f32 v11, v8  }
0x14b: {  	s0 =	sadd.s32 @p0 $0x10, s24  }
0x14c: {  	s14 =	sadd.s32 @p1 $0x10, s28;
	s15 =	simm.s32 $0x0;
	s2 =	smov.u32 @p0 s0;
	[tilespmem:s4+$0x0] =	vst v8  }
0x14d: {  	s15 =	smov.u32 @p1 s14;
	v8 =	vld [tilespmem:s2+$0x0]  }
0x14e: {  	s0 =	sadd.s32 @p0 $0x10, s15;
	v11 =	vor.u32 @p0 s15, v3  }
0x14f: {  	s1 =	smov.u32 @p0 s0;
	vm0 =	vlt.s32 @p0 v11, v7  }
0x150: {  	v13 =	vor.u32 s1, v3;
	v12 =	vnsel @p0 vm0, $0xFF800000, v12  }
.Ltmp11:
0x151: {  	vm1 =	vlt.s32 v13, v7;
	vm0 =	vgt.f32 @p0 v12, v9;
	v9 =	vmax.f32 @p0 v9, v12;
	(pc) =	sbr.rel .LBB2_18-.Ltmp11, $4  }
0x152: {  	v7 =	vsel @p0 vm0, v11, v10;
	v6 =	vpsel p0, v9, v6;
	v8 =	vnsel vm1, $0xFF800000, v8  }
0x153: {  	v5 =	vpsel p0, v7, v5;
	vm15 =	vgt.f32 v8, v6  }
0x154: {  	v5 =	vsel vm15, v13, v5  }
0x155: {  	v6 =	vmax.f32 v6, v8;
	v5 =	vxor.u32 $0x80000000, v5  }
.LBB2_9:
0x156: {  	v5 =	vimm.s32 $0x80000000;
	v6 =	vimm.f32 $-Inf  }
.LBB2_18:
0x157: {  	(xrf0) =	vmax.scan.msk.f32 $0xffff, v6;
	_ =	sdelay $0x5  }
0x158: {  	v7, _, _ =	vpop (xrf0)  }
0x159: {  	(v2sf) =	vpush v7, $0xF;
	_ =	sdelay $0xe  }
0x15a: {  	s24 =	spop (v2sf)  }
0x15b: {  	p0 =	slt.f32 s24, $-Inf;
	p1 =	sgt.f32 s24, $-Inf  }
0x15c: {  	_ = 	snop  }
0x15d: {  	p0 =	por p1, p0  }
0x15e: {  	p0 =	por !p0, !p0  }
.Ltmp12:
0x15f: {  	_ = 	snop;
	(pc) =	sbr.rel @p0 .LBB2_19-.Ltmp12, $1  }
0x160: {  	_ =	sdelay $0x3  }
0x161: {  	v7 =	vbroadcast v7, $0xF;
	_ =	sdelay $0x1  }
0x162: {  	vm0 =	veq.f32 v6, v7  }
0x163: {  	v5 =	vnsel vm0, $0xFFFFFFFF, v5  }
0x164: {  	(xrf0) =	vmin.scan.msk.u32 $0xffff, v5;
	_ =	sdelay $0x5  }
0x165: {  	v5, _, _ =	vpop (xrf0)  }
0x166: {  	(v2sf) =	vpush v5, $0xF;
	_ =	sdelay $0xe  }
0x167: {  	s0 =	spop (v2sf)  }
0x168: {  	s23 =	sxor.u32 $0x80000000, s0;
	s0 =	sand.u32 $0xF, s0  }
0x169: {  	s1 =	sshra.s32 s23, $0x1F;
	p0 =	slt.s32 s23, $0x1;
	p1 =	sne.s32 s0, $0x0  }
0x16a: {  	s29 =	sshrl.u32 s1, $0x1C;
	p0 =	por !p0, !p1  }
0x16b: {  	s1 =	simm.s32 $0x1;
	s0 =	sadd.s32 s29, s23;
	p0 =	por !p0, !p0  }
0x16c: {  	s0 =	sshrl.u32 s0, $0x4;
	s1 =	simm.s32 @!p0 $0x0  }
0x16d: {  	s0 =	ssub.s32 s0, s1  }
0x16e: {  	s0 =	sshll.u32 s0, $0x4  }
0x16f: {  	v5 =	vld [tilespmem:s0+$0x13B80]  }
0x170: {  	v6 =	vld [tilespmem:s0+$0xED00]  }
0x171: {  	s30 =	ssub.s32 s23, s0;
	v7 =	vld [tilespmem:s0+$0x9E80]  }
0x172: {  	v9 =	vld [tilespmem:s0+$0x5000];
	v8 =	vmov s30  }
0x173: {  	vm15 =	veq.s32 v8, v3  }
0x174: {  	v5 =	vnsel vm15, $0xFF800000, v5  }
0x175: {  	(xrf0) =	vmax.scan.msk.f32 $0xffff, v5;
	v5 =	vnsel vm15, $0xFF800000, v6  }
0x176: {  	(xrf0) =	vmax.scan.msk.f32 $0xffff, v5;
	v5 =	vnsel vm15, $0xFF800000, v7  }
0x177: {  	(xrf0) =	vmax.scan.msk.f32 $0xffff, v5;
	v5 =	vnsel vm15, $0xFF800000, v9  }
0x178: {  	(xrf0) =	vmax.scan.msk.f32 $0xffff, v5;
	_ =	sdelay $0x2  }
0x179: {  	v5, _, _ =	vpop (xrf0)  }
0x17a: {  	v6, _, _ =	vpop (xrf0);
	(v2sf) =	vpush v5, $0xF  }
0x17b: {  	v5, _, _ =	vpop (xrf0);
	(v2sf) =	vpush v6, $0xF  }
0x17c: {  	(v2sf) =	vpush v5, $0xF;
	v5, _, _ =	vpop (xrf0)  }
0x17d: {  	(v2sf) =	vpush v5, $0xF;
	_ =	sdelay $0xa  }
.Ltmp13:
0x17e: {  	_ = 	snop;
	(pc) =	sbr.rel .LBB2_21-.Ltmp13, $4  }
0x17f: {  	s1 =	spop (v2sf)  }
0x180: {  	s2 =	spop (v2sf)  }
0x181: {  	s21 =	spop (v2sf)  }
0x182: {  	s19 =	simm.s32 $0x0;
	s22 =	spop (v2sf)  }
.LBB2_29:
0x183: {  	v5 =	vimm.s32 $0x80000000;
	v6 =	vimm.f32 $-Inf  }
.LBB2_36:
0x184: {  	(xrf0) =	vmax.scan.msk.f32 $0xffff, v6;
	_ =	sdelay $0x5  }
0x185: {  	v7, _, _ =	vpop (xrf0)  }
0x186: {  	v8 =	vbroadcast v7, $0xF;
	_ =	sdelay $0x1  }
0x187: {  	vm0 =	veq.f32 v6, v8  }
0x188: {  	v5 =	vnsel vm0, $0xFFFFFFFF, v5  }
0x189: {  	(xrf0) =	vmin.scan.msk.u32 $0xffff, v5;
	_ =	sdelay $0x5  }
0x18a: {  	(v2sf) =	vpush v7, $0xF;
	v5, _, _ =	vpop (xrf0)  }
0x18b: {  	(v2sf) =	vpush v5, $0xF;
	_ =	sdelay $0xd  }
0x18c: {  	s24 =	spop (v2sf)  }
0x18d: {  	p0 =	sgt.f32 s24, $-Inf;
	s0 =	spop (v2sf)  }
0x18e: {  	s23 =	sxor.u32 $0x80000000, s0  }
0x18f: {  	s23 =	simm.s32 @!p0 $0x0  }
0x190: {  	s28 =	sand.u32 $0xF, s23  }
0x191: {  	s1 =	sshra.s32 s23, $0x1F;
	p1 =	slt.s32 s23, $0x1;
	p2 =	sne.s32 s28, $0x0  }
0x192: {  	s29 =	sshrl.u32 s1, $0x1C;
	p1 =	por !p1, !p2  }
0x193: {  	s1 =	simm.s32 $0x1;
	s0 =	sadd.s32 s29, s23;
	p1 =	por !p1, !p1  }
0x194: {  	s0 =	sshrl.u32 s0, $0x4;
	s1 =	simm.s32 @!p1 $0x0  }
0x195: {  	s0 =	ssub.s32 s0, s1  }
0x196: {  	s0 =	sshll.u32 s0, $0x4  }
0x197: {  	v5 =	vld [tilespmem:s0+$0x5000]  }
0x198: {  	v6 =	vld [tilespmem:s0+$0x9E80]  }
0x199: {  	s30 =	ssub.s32 s23, s0;
	v7 =	vld [tilespmem:s0+$0xED00]  }
0x19a: {  	v9 =	vld [tilespmem:s0+$0x13B80];
	v63 =	vmov s30  }
0x19b: {  	vm15 =	veq.s32 v63, v3  }
0x19c: {  	v5 =	vnsel vm15, $0xFF800000, v5  }
0x19d: {  	(xrf0) =	vmax.scan.msk.f32 $0xffff, v5;
	v5 =	vnsel vm15, $0xFF800000, v6  }
0x19e: {  	(xrf0) =	vmax.scan.msk.f32 $0xffff, v5;
	v5 =	vnsel vm15, $0xFF800000, v7  }
0x19f: {  	(xrf0) =	vmax.scan.msk.f32 $0xffff, v5;
	v5 =	vnsel vm15, $0xFF800000, v9  }
0x1a0: {  	(xrf0) =	vmax.scan.msk.f32 $0xffff, v5;
	_ =	sdelay $0x2  }
0x1a1: {  	v5, _, _ =	vpop (xrf0)  }
0x1a2: {  	v6, _, _ =	vpop (xrf0);
	(v2sf) =	vpush v5, $0xF  }
0x1a3: {  	v5, _, _ =	vpop (xrf0);
	(v2sf) =	vpush v6, $0xF  }
0x1a4: {  	(v2sf) =	vpush v5, $0xF;
	v5, _, _ =	vpop (xrf0)  }
0x1a5: {  	(v2sf) =	vpush v5, $0xF;
	_ =	sdelay $0x6  }
0x1a6: {  	p1 =	sgt.u32 s19, $0x2EC  }
0x1a7: {  	p2 =	sgt.f32 @!p1 s24, $-Inf;
	_ =	sdelay $0x1  }
0x1a8: {  	p2 =	por p1, !p2  }
.Ltmp14:
0x1a9: {  	_ = 	snop;
	(pc) =	sbr.rel @p2 .LBB2_37-.Ltmp14, $4  }
0x1aa: {  	s22 =	spop (v2sf)  }
0x1ab: {  	s21 =	spop (v2sf)  }
0x1ac: {  	s2 =	spop (v2sf)  }
0x1ad: {  	s19 =	smov.u32 s4;
	s24 =	simm.s32 @!p0 $0xFF800000;
	s1 =	spop (v2sf)  }
.LBB2_21:
0x1ae: {  	s4 =	sadd.s32 $0x1, s19  }
0x1af: {  	s0 =	sadd.s32 $0xFFFFFFFF, s19;
	s14 =	sand.u32 $0x7, s4  }
0x1b0: {  	p0 =	slt.u32 s0, $0x3;
	p1 =	seq.s32 s14, $0x0  }
0x1b1: {  	s0 =	smov.u32 s20;
	p0 =	por p0, p1  }
0x1b2: {  	s0 =	simm.s32 @!p0 $0x0  }
0x1b3: {  	s16 =	sadd.s32 $0xF, s0  }
0x1b4: {  	s25 =	sand.u32 $0xF, s16  }
0x1b5: {  	v5 =	vmov s19;
	s30 =	sshra.s32 s16, $0x1F;
	p2 =	slt.s32 s16, $0x1;
	p6 =	sne.s32 s25, $0x0  }
0x1b6: {  	s29 =	ssub.f32 s22, s3;
	s14 =	sshrl.u32 s30, $0x1C;
	p1 =	por !p2, !p6  }
0x1b7: {  	s14 =	sadd.s32 s14, s16;
	s16 =	simm.s32 $0x1;
	p1 =	por !p1, !p1  }
0x1b8: {  	s15 =	ssub.f32 s21, s3;
	s14 =	sshra.s32 s14, $0x4;
	s16 =	simm.s32 @!p1 $0x0  }
0x1b9: {  	s18 =	ssub.f32 s2, s3;
	s17 =	simm.s32 $0x1D880;
	v6 =	vmov s29;
	s14 =	ssub.s32 s14, s16  }
0x1ba: {  	v7 =	vmov s15;
	[tilespmem:v5+s17+$0x0] =	vst.idx.msk $0x1, v6;
	v6 =	vmov s23;
	s17 =	simm.s32 $0x1DB80;
	s25 =	ssub.f32 s1, s3;
	p1 =	slt.s32 s14, $0x1  }
.Ltmp15:
0x1bb: {  	s26 =	simm.s32 $0x1DE80;
	v8 =	vmov s18;
	[tilespmem:v5+s17+$0x0] =	vst.idx.msk $0x1, v7;
	(pc) =	sbr.rel @p1 .LBB2_28-.Ltmp15, $4  }
0x1bc: {  	s28 =	simm.s32 $0x1E180;
	[tilespmem:v5+s26+$0x0] =	vst.idx.msk $0x1, v8;
	v7 =	vmov s25  }
0x1bd: {  	v63 =	vmov s24;
	s29 =	simm.s32 $0x1E480;
	[tilespmem:v5+s28+$0x0] =	vst.idx.msk $0x1, v7  }
0x1be: {  	s30 =	simm.s32 $0x18A00;
	[tilespmem:v5+s29+$0x0] =	vst.idx.msk $0x1, v63  }
0x1bf: {  	s15 =	simm.s32 $0x0;
	[tilespmem:v6+s30+$0x0] =	vst.idx.msk $0x1, v4  }
0x1c0: {  	p2 =	sne.s32 s14, $0x1  }
.Ltmp16:
0x1c1: {  	_ = 	snop;
	(pc) =	sbr.rel @!p2 .LBB2_23-.Ltmp16, $4  }
0x1c2: {  	_ = 	snop  }
0x1c3: {  	s28 =	simm.s32 $0x5000;
	s26 =	simm.s32 $0x9E80  }
0x1c4: {  	s25 =	simm.s32 $0xED00;
	s24 =	simm.s32 $0x13B80;
	s15 =	simm.s32 $0x18A00  }
0x1c5: {  	v6 =	vmov s0;
	s23 =	simm.s32 $0x0;
	s0 =	sadd.s32 $0xFFFFFFFF, s14;
	p1 =	por $0x0, $0x0;
	v5 =	vld [tilespmem:s15+$0x0]  }
0x1c6: {  	_ =	sdelay $0x3  }
0x1c7: {  	v7 =	vor.u32 s23, v3;
	vm0 =	vlt.f32 v5, $-Inf;
	vm1 =	vgt.f32 v5, $-Inf  }
0x1c8: {  	vm15 =	vlt.s32 v7, v6;
	vm0 =	vmor vm1, vm0  }
0x1c9: {  	vm0 =	vmand vm15, vm0  }
0x1ca: {  	v10 =	vsel vm0, $0x1, v2  }
0x1cb: {  	v8 =	vld [tilespmem:s28+$0x0];
	(xrf0) =	vadd.scan.msk.s32 $0xffff, v10  }
0x1cc: {  	v7 =	vld [tilespmem:s26+$0x0]  }
0x1cd: {  	v9 =	vld [tilespmem:s25+$0x0]  }
0x1ce: {  	v11 =	vld [tilespmem:s24+$0x0];
	_ =	sdelay $0x1  }
0x1cf: {  	p2 =	sne.s32 s0, $0x1;
	[tilespmem:s23+$0x5000] =	vst.msk vm0, v8  }
.Ltmp17:
0x1d0: {  	[tilespmem:s23+$0x9E80] =	vst.msk vm0, v7;
	v7, _, _ =	vpop (xrf0);
	(pc) =	sbr.rel @!p2 .LBB2_25-.Ltmp17, $4  }
0x1d1: {  	[tilespmem:s23+$0xED00] =	vst.msk vm0, v9;
	(v2sf) =	vpush v7, $0xF  }
0x1d2: {  	s14 =	simm.s32 $0x18A10;
	s15 =	sadd.s32 $0xFFFFFFFF, s0;
	s28 =	simm.s32 $0x5010;
	[tilespmem:s23+$0x13B80] =	vst.msk vm0, v11  }
0x1d3: {  	p1 =	por $0x1, $0x1;
	s29 =	simm.s32 $0x13B80;
	s30 =	simm.s32 $0xED00;
	[tilespmem:s23+$0x18A00] =	vst.msk vm0, v5  }
0x1d4: {  	s0 =	simm.s32 $0x9E80;
	s16 =	simm.s32 $0x0;
	s18 =	simm.s32 $0x0;
	v5 =	vld [tilespmem:s14+$0x0]  }
.LBB2_26:
0x1d5: {  	p2 =	sne.s32 s15, $0x1;
	v7 =	vld [tilespmem:s28+$0x0];
	s29 =	sadd.s32 $0x10, s29  }
0x1d6: {  	s30 =	sadd.s32 $0x10, s30;
	v8 =	vld [tilespmem:s29+$0x0]  }
0x1d7: {  	s0 =	sadd.s32 $0x10, s0;
	v9 =	vld [tilespmem:s30+$0x0]  }
0x1d8: {  	s16 =	sadd.s32 $0x10, s16;
	v10 =	vld [tilespmem:s0+$0x0]  }
0x1d9: {  	v11 =	vor.u32 s16, v3;
	vm0 =	vlt.f32 v5, $-Inf;
	vm1 =	vgt.f32 v5, $-Inf  }
0x1da: {  	vm0 =	vmor vm1, vm0;
	vm1 =	vlt.s32 v11, v6  }
0x1db: {  	vm0 =	vmand vm1, vm0  }
0x1dc: {  	v11 =	vsel vm0, $0x1, v2  }
0x1dd: {  	(xrf0) =	vadd.scan.msk.s32 $0xffff, v11;
	_ =	sdelay $0x2  }
0x1de: {  	s17 =	spop (v2sf)  }
0x1df: {  	s18 =	sadd.s32 s18, s17  }
0x1e0: {  	[tilespmem:s18+$0x5000] =	vst.msk vm0, v7  }
.Ltmp18:
0x1e1: {  	[tilespmem:s18+$0x9E80] =	vst.msk vm0, v10;
	v7, _, _ =	vpop (xrf0);
	(pc) =	sbr.rel @p2 .LBB2_26-.Ltmp18, $4  }
0x1e2: {  	[tilespmem:s18+$0xED00] =	vst.msk vm0, v9;
	(v2sf) =	vpush v7, $0xF  }
0x1e3: {  	[tilespmem:s18+$0x13B80] =	vst.msk vm0, v8  }
0x1e4: {  	s14 =	sadd.s32 $0x10, s14;
	[tilespmem:s18+$0x18A00] =	vst.msk vm0, v5  }
0x1e5: {  	s15 =	sadd.s32 $0xFFFFFFFF, s15;
	s28 =	sadd.s32 $0x10, s28;
	v5 =	vld [tilespmem:s14+$0x0]  }
.LBB2_27:
0x1e6: {  	_ =	sdelay $0x1  }
0x1e7: {  	s14 =	sadd.s32 @p1 $0x10, s16;
	s15 =	simm.s32 $0x0  }
0x1e8: {  	s15 =	smov.u32 @p1 s14  }
0x1e9: {  	v7 =	vor.u32 s15, v3;
	vm0 =	vlt.f32 v5, $-Inf;
	vm1 =	vgt.f32 v5, $-Inf  }
0x1ea: {  	vm15 =	vlt.s32 v7, v6;
	vm0 =	vmor vm1, vm0  }
0x1eb: {  	vm0 =	vmand vm15, vm0  }
0x1ec: {  	v6 =	vsel vm0, $0x1, v2  }
0x1ed: {  	(xrf0) =	vadd.scan.msk.s32 $0xffff, v6;
	_ =	sdelay $0x5  }
0x1ee: {  	v6, _, _ =	vpop (xrf0)  }
0x1ef: {  	(v2sf) =	vpush v6, $0xF;
	_ =	sdelay $0x5  }
0x1f0: {  	s0 =	sadd.s32 @p1 $0x10, s0  }
0x1f1: {  	s14 =	sadd.s32 @p1 $0x10, s30;
	s26 =	smov.u32 @p1 s0;
	v6 =	vld [tilespmem:s28+$0x0]  }
0x1f2: {  	s0 =	sadd.s32 @p1 $0x10, s29;
	s25 =	smov.u32 @p1 s14;
	v7 =	vld [tilespmem:s26+$0x0]  }
0x1f3: {  	s24 =	smov.u32 @p1 s0;
	v8 =	vld [tilespmem:s25+$0x0];
	s14 =	spop @p1 (v2sf)  }
0x1f4: {  	v9 =	vld [tilespmem:s24+$0x0];
	s0 =	sadd.s32 @p1 s18, s14  }
0x1f5: {  	s23 =	smov.u32 @p1 s0  }
0x1f6: {  	[tilespmem:s23+$0x5000] =	vst.msk vm0, v6  }
0x1f7: {  	[tilespmem:s23+$0x9E80] =	vst.msk vm0, v7  }
0x1f8: {  	[tilespmem:s23+$0xED00] =	vst.msk vm0, v8  }
0x1f9: {  	[tilespmem:s23+$0x13B80] =	vst.msk vm0, v9;
	s30 =	spop (v2sf)  }
0x1fa: {  	[tilespmem:s23+$0x18A00] =	vst.msk vm0, v5;
	s15 =	sadd.s32 s23, s30  }
.LBB2_28:
0x1fb: {  	s20 =	smov.u32 @p0 s15  }
0x1fc: {  	s0 =	sadd.s32 $0xF, s20  }
0x1fd: {  	s14 =	sand.u32 $0xF, s0  }
0x1fe: {  	s29 =	sshra.s32 s0, $0x1F;
	p6 =	slt.s32 s0, $0x1;
	p1 =	sne.s32 s14, $0x0  }
0x1ff: {  	s30 =	sshrl.u32 s29, $0x1C;
	p0 =	por !p6, !p1  }
0x200: {  	s14 =	simm.s32 $0x1;
	s0 =	sadd.s32 s30, s0;
	p0 =	por !p0, !p0  }
0x201: {  	s0 =	sshra.s32 s0, $0x4;
	s14 =	simm.s32 @!p0 $0x0  }
0x202: {  	s0 =	ssub.s32 s0, s14  }
0x203: {  	p0 =	slt.s32 s0, $0x1  }
.Ltmp19:
0x204: {  	_ = 	snop;
	(pc) =	sbr.rel @p0 .LBB2_29-.Ltmp19, $1  }
0x205: {  	_ =	sdelay $0x3  }
0x206: {  	s14 =	ssub.f32 s2, s22;
	p1 =	sne.s32 s0, $0x1  }
.Ltmp20:
0x207: {  	s15 =	ssub.f32 s1, s21;
	(pc) =	sbr.rel @!p1 .LBB2_31-.Ltmp20, $4  }
0x208: {  	_ = 	snop  }
0x209: {  	v9 =	vmov s22;
	v8 =	vmov s21;
	s30 =	simm.s32 $0x5000;
	s22 =	simm.s32 $0x9E80;
	s14 =	smul.f32 s15, s14  }
0x20a: {  	s16 =	simm.s32 $0xED00;
	v5 =	vmov s20;
	v12 =	vmov s2;
	v11 =	vmov s1;
	s21 =	simm.s32 $0x13B80;
	s1 =	simm.s32 $0x18A00;
	v13 =	vld [tilespmem:s30+$0x0]  }
0x20b: {  	v6 =	vimm.f32 $-Inf;
	v7 =	vimm.s32 $0x0;
	s2 =	simm.s32 $0x0;
	s0 =	sadd.s32 $0xFFFFFFFF, s0;
	p0 =	por $0x0, $0x0;
	v14 =	vld [tilespmem:s16+$0x0];
	v10 =	vmov s14  }
0x20c: {  	v15 =	vld [tilespmem:s22+$0x0]  }
0x20d: {  	v16 =	vld [tilespmem:s21+$0x0];
	_ =	sdelay $0x3  }
0x20e: {  	v17 =	vsub.f32 v14, v13;
	v13 =	vmax.f32 v9, v13;
	v14 =	vmin.f32 v12, v14  }
0x20f: {  	v18 =	vsub.f32 v16, v15;
	v15 =	vmax.f32 v8, v15;
	v16 =	vmin.f32 v11, v16  }
0x210: {  	v13 =	vsub.f32 v14, v13;
	v14 =	vsub.f32 v16, v15  }
0x211: {  	v15 =	vmul.f32 v18, v17  }
0x212: {  	v13 =	vmax.f32 v13, $0.0e+00;
	v14 =	vmax.f32 v14, $0.0e+00  }
0x213: {  	v13 =	vmul.f32 v14, v13;
	v14 =	vadd.f32 v15, v10;
	_ =	sdelay $0x1  }
0x214: {  	v14 =	vsub.f32 v14, v13;
	_ =	sdelay $0x1  }
0x215: {  	(erf) = vrcp.f32 v14;
	_ =	sdelay $0x7  }
0x216: {  	v14 =	vld [tilespmem:s1+$0x0]  }
0x217: {  	v15 =	vpop (erf)  }
0x218: {  	v13 =	vmul.f32 v15, v13  }
0x219: {  	p1 =	sne.s32 s0, $0x1  }
.Ltmp21:
0x21a: {  	v15 =	vor.u32 s2, v3;
	vm0 =	vgt.f32 v13, $9.999999770e-03;
	(pc) =	sbr.rel @!p1 .LBB2_33-.Ltmp21, $4  }
0x21b: {  	vm1 =	vlt.s32 v15, v5;
	v13 =	vsel vm0, $0xFF800000, v14  }
0x21c: {  	s25 =	simm.s32 $0x5010;
	s28 =	simm.s32 $0xED10;
	[tilespmem:s1+$0x0] =	vst v13;
	v14 =	vnsel vm1, $0xFF800000, v13  }
0x21d: {  	s18 =	sadd.s32 $0xFFFFFFFF, s0;
	s22 =	simm.s32 $0x9E90;
	p0 =	por $0x1, $0x1;
	v13 =	vld [tilespmem:s25+$0x0];
	vm15 =	vgt.f32 v14, v6  }
0x21e: {  	s26 =	simm.s32 $0x13B80;
	s24 =	simm.s32 $0x18A00;
	s23 =	simm.s32 $0x0;
	v6 =	vmax.f32 v6, v14;
	v14 =	vld [tilespmem:s28+$0x0];
	v7 =	vsel vm15, v15, v7  }
.LBB2_34:
0x21f: {  	p1 =	sne.s32 s18, $0x1;
	v15 =	vld [tilespmem:s22+$0x0];
	s26 =	sadd.s32 $0x10, s26  }
0x220: {  	v16 =	vld [tilespmem:s26+$0x0];
	_ =	sdelay $0x3  }
0x221: {  	v17 =	vsub.f32 v14, v13;
	v13 =	vmax.f32 v9, v13;
	v14 =	vmin.f32 v12, v14  }
0x222: {  	v18 =	vsub.f32 v16, v15;
	v15 =	vmax.f32 v8, v15;
	v16 =	vmin.f32 v11, v16  }
0x223: {  	v13 =	vsub.f32 v14, v13;
	v14 =	vsub.f32 v16, v15  }
0x224: {  	v15 =	vmul.f32 v18, v17  }
0x225: {  	v13 =	vmax.f32 v13, $0.0e+00;
	v14 =	vmax.f32 v14, $0.0e+00  }
0x226: {  	v13 =	vmul.f32 v14, v13;
	v14 =	vadd.f32 v15, v10;
	_ =	sdelay $0x1  }
0x227: {  	v14 =	vsub.f32 v14, v13;
	_ =	sdelay $0x1  }
0x228: {  	(erf) = vrcp.f32 v14;
	_ =	sdelay $0x6  }
0x229: {  	s24 =	sadd.s32 $0x10, s24  }
0x22a: {  	v14 =	vld [tilespmem:s24+$0x0]  }
0x22b: {  	v15 =	vpop (erf)  }
0x22c: {  	v13 =	vmul.f32 v15, v13  }
0x22d: {  	s23 =	sadd.s32 $0x10, s23  }
.Ltmp22:
0x22e: {  	v15 =	vor.u32 s23, v3;
	vm0 =	vgt.f32 v13, $9.999999770e-03;
	(pc) =	sbr.rel @p1 .LBB2_34-.Ltmp22, $4  }
0x22f: {  	vm1 =	vlt.s32 v15, v5;
	v13 =	vsel vm0, $0xFF800000, v14  }
0x230: {  	s25 =	sadd.s32 $0x10, s25;
	[tilespmem:s24+$0x0] =	vst v13;
	v14 =	vnsel vm1, $0xFF800000, v13  }
0x231: {  	s28 =	sadd.s32 $0x10, s28;
	v13 =	vld [tilespmem:s25+$0x0];
	vm0 =	vgt.f32 v14, v6;
	v6 =	vmax.f32 v6, v14  }
0x232: {  	s18 =	sadd.s32 $0xFFFFFFFF, s18;
	s22 =	sadd.s32 $0x10, s22;
	v14 =	vld [tilespmem:s28+$0x0];
	v7 =	vsel vm0, v15, v7  }
.LBB2_35:
0x233: {  	s0 =	sadd.s32 @p0 $0x10, s26  }
0x234: {  	v15 =	vld [tilespmem:s22+$0x0];
	s21 =	smov.u32 @p0 s0  }
0x235: {  	v16 =	vld [tilespmem:s21+$0x0];
	_ =	sdelay $0x3  }
0x236: {  	v9 =	vmax.f32 v9, v13;
	v17 =	vsub.f32 v14, v13;
	v12 =	vmin.f32 v12, v14  }
0x237: {  	v8 =	vmax.f32 v8, v15;
	v58 =	vsub.f32 v16, v15;
	v11 =	vmin.f32 v11, v16  }
0x238: {  	v9 =	vsub.f32 v12, v9;
	v8 =	vsub.f32 v11, v8  }
0x239: {  	v59 =	vmul.f32 v58, v17  }
0x23a: {  	v9 =	vmax.f32 v9, $0.0e+00;
	v8 =	vmax.f32 v8, $0.0e+00  }
0x23b: {  	v8 =	vmul.f32 v8, v9;
	v60 =	vadd.f32 v59, v10;
	_ =	sdelay $0x1  }
0x23c: {  	v9 =	vsub.f32 v60, v8;
	_ =	sdelay $0x1  }
0x23d: {  	(erf) = vrcp.f32 v9;
	_ =	sdelay $0x5  }
0x23e: {  	s0 =	sadd.s32 @p0 $0x10, s24  }
0x23f: {  	s1 =	smov.u32 @p0 s0  }
0x240: {  	v61 =	vld [tilespmem:s1+$0x0]  }
0x241: {  	v62 =	vpop (erf)  }
0x242: {  	s0 =	sadd.s32 @p0 $0x10, s23;
	v8 =	vmul.f32 v62, v8  }
0x243: {  	s2 =	smov.u32 @p0 s0  }
0x244: {  	v63 =	vor.u32 s2, v3;
	vm0 =	vgt.f32 v8, $9.999999770e-03  }
.Ltmp23:
0x245: {  	vm1 =	vlt.s32 v63, v5;
	v5 =	vsel vm0, $0xFF800000, v61;
	(pc) =	sbr.rel .LBB2_36-.Ltmp23, $4  }
0x246: {  	v8 =	vnsel vm1, $0xFF800000, v5  }
0x247: {  	vm15 =	vgt.f32 v8, v6  }
0x248: {  	v7 =	vsel vm15, v63, v7  }
0x249: {  	[tilespmem:s1+$0x0] =	vst v5;
	v6 =	vmax.f32 v6, v8;
	v5 =	vxor.u32 $0x80000000, v7  }
.LBB2_23:
.Ltmp24:
0x24a: {  	(pc) =	sbr.rel .LBB2_27-.Ltmp24, $3  }
0x24b: {  	_ =	sdelay $0x1  }
0x24c: {  	s29 =	simm.s32 $0x13B80;
	s30 =	simm.s32 $0xED00  }
0x24d: {  	s0 =	simm.s32 $0x9E80;
	s16 =	simm.s32 $0x0;
	s18 =	simm.s32 $0x0  }
.LBB2_31:
.Ltmp25:
0x24e: {  	(pc) =	sbr.rel .LBB2_35-.Ltmp25, $2  }
0x24f: {  	_ =	sdelay $0x2  }
0x250: {  	s26 =	simm.s32 $0x13B80;
	s24 =	simm.s32 $0x18A00;
	s23 =	simm.s32 $0x0  }
.LBB2_25:
.Ltmp26:
0x251: {  	(pc) =	sbr.rel .LBB2_27-.Ltmp26, $3  }
0x252: {  	_ =	sdelay $0x1  }
0x253: {  	s29 =	simm.s32 $0x13B80;
	s30 =	simm.s32 $0xED00  }
0x254: {  	s0 =	simm.s32 $0x9E80;
	s16 =	simm.s32 $0x0;
	s18 =	simm.s32 $0x0  }
.LBB2_33:
.Ltmp27:
0x255: {  	(pc) =	sbr.rel .LBB2_35-.Ltmp27, $2  }
0x256: {  	_ =	sdelay $0x2  }
0x257: {  	s26 =	simm.s32 $0x13B80;
	s24 =	simm.s32 $0x18A00;
	s23 =	simm.s32 $0x0  }
.LBB2_19:
.Ltmp28:
0x258: {  	(pc) =	sbr.rel .LBB2_38-.Ltmp28, $2  }
0x259: {  	_ =	sdelay $0x2  }
0x25a: {  	s4 =	simm.s32 $0x0;
	s20 =	rddreg [dreg:$0xd]  }
.LBB2_11:
.Ltmp29:
0x25b: {  	(pc) =	sbr.rel .LBB2_17-.Ltmp29, $3  }
0x25c: {  	_ =	sdelay $0x1  }
0x25d: {  	s24 =	simm.s32 $0x18A00;
	s28 =	simm.s32 $0x0  }
0x25e: {  	v9 =	vimm.f32 $-Inf;
	s23 =	simm.s32 $0x9E80;
	v10 =	vimm.s32 $0x0;
	s25 =	simm.s32 $0xED00;
	s26 =	simm.s32 $0x13B80  }
.LBB2_13:
.Ltmp30:
0x25f: {  	(pc) =	sbr.rel .LBB2_17-.Ltmp30, $3  }
0x260: {  	_ =	sdelay $0x1  }
0x261: {  	s24 =	simm.s32 $0x18A00;
	s28 =	simm.s32 $0x0  }
0x262: {  	v9 =	vimm.f32 $-Inf;
	s23 =	simm.s32 $0x9E80;
	v10 =	vimm.s32 $0x0;
	s25 =	simm.s32 $0xED00;
	s26 =	simm.s32 $0x13B80  }
.LBB2_15:
.Ltmp31:
0x263: {  	(pc) =	sbr.rel .LBB2_17-.Ltmp31, $2  }
0x264: {  	_ =	sdelay $0x2  }
0x265: {  	s28 =	simm.s32 $0x0  }
.LBB2_39:
0x266: {  	_ =	sfence.sel $0x180000  }
0x267: {  	[bflag:$0x0] =	sbarrier.arrive $0xFFFF  }
0x268: {  	_ =	strace $0x90000047  }
0x269: {  	s0 =	stileid.u32;
	[bflag:$0x2] =	sbarrier.arrive $0xFFFF  }
0x26a: {  	p0 =	sne.s32 s0, $0x0;
	s0 =	rddreg [dreg:$0x5]  }
0x26b: {  	s0 =	sadd.s32 @!p0 $0x100000, s0  }
0x26c: {  	[sflag:s0] =	ssyncadd.tile.s32 @!p0 $0x1;
	_ =	shalt  }
.Lfunc_end2:
_tile_overlayer_lowered:
.L_overlay_start_2:
0x26d: {  	(tag) =	ssettag $0x2  }
0x26e: {  	s0 =	rddreg [dreg:$0x0];
	s2 =	stileid.u32  }
0x26f: {  	s1 =	rddreg [dreg:$0x1];
	p0 =	sne.s32 s2, $0x0  }
0x270: {  	s3 =	rddreg [dreg:$0x2];
	[bflag:$0x3] =	sbarrier.arrive $0xFFFF;
	s2 =	simm.s32 @!p0 $0x1C02  }
0x271: {  	[timem:s3], [sflag:s2] =	dma.local @!p0 [hbm:s0], s1  }
0x272: {  	s0 =	simm.s32 @!p0 $0x2  }
0x273: {  	_ =	swait.ge @!p0 [sflag:s0], s1  }
0x274: {  	s1 =	ssub.s32 @!p0 $0x0, s1;
	[sflag:s0] =	ssyncset.done @!p0 $0x0  }
0x275: {  	[sflag:s0] =	ssyncadd.s32 @!p0 s1  }
0x276: {  	[bflag:$0x3] =	sbarrier.arrive $0xFFFF  }
0x277: {  	_ =	shalt  }

</sc_bundles>
